<compile_context>
chip_gen: v7x
topology: tpu7x:2x2x1
jax: 0.10.2.dev20260603
libtpu: 0.0.44.dev20260713+nightly
codegen_flags: <defaults>
</compile_context>

<pallas_src>
import functools

import jax
import jax.numpy as jnp
from jax import lax
from jax.experimental import pallas as pl
from jax.experimental.pallas import tpu as pltpu
from jax.experimental.pallas import tpu_sc as plsc

_NC = 2
_NS = 16
_NW = _NC * _NS

_G = 4


@functools.cache
def _build(batch: int, hist: int, vocab: int, dim: int):
    rows_per_w = batch // _NW
    iters = rows_per_w // _G
    n = batch * hist
    gh = _G * hist

    mesh = plsc.VectorSubcoreMesh(core_axis_name="c", subcore_axis_name="s")

    @functools.partial(
        pl.kernel,
        mesh=mesh,
        compiler_params=pltpu.CompilerParams(use_tc_tiling_on_sc=False),
        out_type=jax.ShapeDtypeStruct((n, 2 * dim), jnp.float32),
        scratch_types=[
            pltpu.VMEM((2, _G, hist), jnp.int32),
            pltpu.VMEM((2, gh, dim), jnp.float32),
            pltpu.SemaphoreType.DMA,
            pltpu.SemaphoreType.DMA,
        ],
    )
    def gather_kernel(idx_hbm, table_hbm, out_hbm, idx_v, rows_v, sem0, sem1):
        wid = lax.axis_index("s") * _NC + lax.axis_index("c")
        brow0 = wid * rows_per_w
        sems = (sem0, sem1)

        def load_fire(t, s):
            brow = brow0 + t * _G
            pltpu.sync_copy(idx_hbm.at[pl.ds(brow, _G)], idx_v.at[s])
            for g in range(_G):
                pltpu.async_copy(
                    table_hbm.at[idx_v.at[s, g]],
                    rows_v.at[s, pl.ds(g * hist, hist)],
                    sems[s],
                )

        def drain(s):
            for g in range(_G):
                pltpu.make_async_copy(
                    table_hbm.at[idx_v.at[s, g]],
                    rows_v.at[s, pl.ds(g * hist, hist)],
                    sems[s],
                ).wait()

        def write_out(t, s):
            nrow = (brow0 + t * _G) * hist
            pltpu.sync_copy(
                rows_v.at[s],
                out_hbm.at[pl.ds(nrow, gh), pl.ds(0, dim)],
            )

        load_fire(0, 0)

        def body(i, carry):
            t0 = 2 * i
            load_fire(t0 + 1, 1)
            drain(0)
            write_out(t0, 0)

            @pl.when(i < iters // 2 - 1)
            def _():
                load_fire(t0 + 2, 0)

            drain(1)
            write_out(t0 + 1, 1)
            return carry

        lax.fori_loop(0, iters // 2, body, 0)

    return gather_kernel


def kernel(input_, weight):
    batch, hist = input_.shape
    vocab, dim = weight.shape
    idx = input_.astype(jnp.int32)
    out = _build(batch, hist, vocab, dim)(idx, weight)
    return out[:, :dim].reshape(batch, hist, dim)

# --- scband reference (transcript-rebuilt; emitter-appended) ---
"""Pipeline reference for scband-vocab-parallel-embedding-39822936768944 (READ-ONLY COPY).

The authoritative reference and input builder live on the scoring server;
editing this copy changes nothing except your own understanding.
"""

import jax, jax.numpy as jnp
import numpy as np

NUM_EMBEDDINGS = 1000000
EMBEDDING_DIM = 64
BATCH = 16384
HIST = 200

def setup_inputs(seed: int = 0) -> dict:
    key = jax.random.key(seed)
    k_idx, k_w = jax.random.split(key)
    input_ = jax.random.randint(k_idx, (BATCH, HIST), 0, NUM_EMBEDDINGS, dtype=jnp.int64 if jax.config.jax_enable_x64 else jnp.int32)
    # xavier_normal_ on (num_embeddings, embedding_dim): std = sqrt(2/(fan_in+fan_out))
    std = float(np.sqrt(2.0 / (NUM_EMBEDDINGS + EMBEDDING_DIM)))
    weight = jax.random.normal(k_w, (NUM_EMBEDDINGS, EMBEDDING_DIM), dtype=jnp.float32) * std
    return {"input_": input_, "weight": weight}

def reference(input_, weight):
    # model_parallel_size == 1 path: plain embedding lookup
    output = jnp.take(weight, input_, axis=0)
    return output

if __name__ == "__main__":
    import jax
    _d = setup_inputs()
    print(jax.jit(kernel)(*tuple(_d.values())))

</pallas_src>

<mosaic_0001>
#map = affine_map<(d0, d1) -> (0, 0)>
module attributes {stable_mosaic.version = 14 : i64} {
  func.func @gather_kernel(%arg0: i32, %arg1: i32, %arg2: memref<16384x200xi32, #tpu.memory_space<hbm>>, %arg3: memref<1000000x64xf32, #tpu.memory_space<hbm>>, %arg4: memref<3276800x128xf32, #tpu.memory_space<hbm>>, %arg5: memref<2x4x200xi32, #tpu.memory_space<vmem>>, %arg6: memref<2x800x64xf32, #tpu.memory_space<vmem>>, %arg7: memref<!tpu.dma_semaphore, #tpu.memory_space<semaphore_mem>>, %arg8: memref<!tpu.dma_semaphore, #tpu.memory_space<semaphore_mem>>) attributes {dimension_semantics = [#tpu.dimension_semantics<core_parallel>, #tpu.dimension_semantics<subcore_parallel>], iteration_bounds = array<i64: 2, 16>, scalar_prefetch = 0 : i64, scratch_operands = 4 : i64, tpu.core_type = #tpu.core_type<sc_vector_subcore>, window_params = [{transform_indices = #map}, {transform_indices = #map}, {transform_indices = #map}]} {
    %mul3A = arith.constant 2 : i32
    %mul3A_0 = arith.muli %arg1, %mul3A : i32
    %add3A = arith.addi %mul3A_0, %arg0 : i32
    %mul3A_1 = arith.constant 512 : i32
    %mul3A_2 = arith.muli %add3A, %mul3A_1 : i32
    %add3A_3 = arith.constant 0 : i32
    %add3A_4 = arith.addi %mul3A_2, %add3A_3 : i32
    %run_scoped3A = arith.constant 0 : i32
    "tpu.region"() ({
      %run_scoped3A_61 = tpu.sem_alloc : memref<!tpu.dma_semaphore, #tpu.memory_space<semaphore_mem>>
      %dma_start3A_62 = arith.constant 0 : i32
      %dma_start3A_63 = arith.constant 0 : i32
      %dma_start3A_64 = tpu.memref_slice %arg5[%run_scoped3A, %dma_start3A_62, %dma_start3A_63] : memref<2x4x200xi32, #tpu.memory_space<vmem>> -> memref<1x4x200xi32, #tpu.memory_space<vmem>>
      %dma_start3A_65 = tpu.memref_squeeze %dma_start3A_64 : memref<1x4x200xi32, #tpu.memory_space<vmem>> -> memref<4x200xi32, #tpu.memory_space<vmem>>
      %dma_start3A_66 = arith.constant 0 : i32
      %dma_start3A_67 = tpu.memref_slice %arg2[%add3A_4, %dma_start3A_66] : memref<16384x200xi32, #tpu.memory_space<hbm>> -> memref<4x200xi32, #tpu.memory_space<hbm>>
      %dma_start3A_68 = arith.constant 0 : i32
      %dma_start3A_69 = arith.constant 0 : i32
      %dma_start3A_70 = tpu.memref_slice %arg5[%run_scoped3A, %dma_start3A_68, %dma_start3A_69] : memref<2x4x200xi32, #tpu.memory_space<vmem>> -> memref<1x4x200xi32, #tpu.memory_space<vmem>>
      %dma_start3A_71 = tpu.memref_squeeze %dma_start3A_70 : memref<1x4x200xi32, #tpu.memory_space<vmem>> -> memref<4x200xi32, #tpu.memory_space<vmem>>
      %dma_start3A_72 = arith.constant 0 : i32
      %dma_start3A_73 = tpu.memref_slice %arg2[%add3A_4, %dma_start3A_72] : memref<16384x200xi32, #tpu.memory_space<hbm>> -> memref<4x200xi32, #tpu.memory_space<hbm>>
      tpu.enqueue_dma source(%dma_start3A_73 : memref<4x200xi32, #tpu.memory_space<hbm>>) target(%dma_start3A_71 : memref<4x200xi32, #tpu.memory_space<vmem>>) target_semaphore(%run_scoped3A_61 : memref<!tpu.dma_semaphore, #tpu.memory_space<semaphore_mem>>)
      %dma_wait3A = arith.constant 0 : i32
      %dma_wait3A_74 = arith.constant 0 : i32
      %dma_wait3A_75 = tpu.memref_slice %arg5[%run_scoped3A, %dma_wait3A, %dma_wait3A_74] : memref<2x4x200xi32, #tpu.memory_space<vmem>> -> memref<1x4x200xi32, #tpu.memory_space<vmem>>
      %dma_wait3A_76 = tpu.memref_squeeze %dma_wait3A_75 : memref<1x4x200xi32, #tpu.memory_space<vmem>> -> memref<4x200xi32, #tpu.memory_space<vmem>>
      %dma_wait3A_77 = arith.constant 0 : i32
      %dma_wait3A_78 = tpu.memref_slice %arg2[%add3A_4, %dma_wait3A_77] : memref<16384x200xi32, #tpu.memory_space<hbm>> -> memref<4x200xi32, #tpu.memory_space<hbm>>
      %dma_wait3A_79 = arith.constant 0 : i32
      %dma_wait3A_80 = arith.constant 0 : i32
      %dma_wait3A_81 = tpu.memref_slice %arg5[%run_scoped3A, %dma_wait3A_79, %dma_wait3A_80] : memref<2x4x200xi32, #tpu.memory_space<vmem>> -> memref<1x4x200xi32, #tpu.memory_space<vmem>>
      %dma_wait3A_82 = tpu.memref_squeeze %dma_wait3A_81 : memref<1x4x200xi32, #tpu.memory_space<vmem>> -> memref<4x200xi32, #tpu.memory_space<vmem>>
      %dma_wait3A_83 = arith.constant 0 : i32
      %dma_wait3A_84 = tpu.memref_slice %arg2[%add3A_4, %dma_wait3A_83] : memref<16384x200xi32, #tpu.memory_space<hbm>> -> memref<4x200xi32, #tpu.memory_space<hbm>>
      tpu.wait_dma2 semaphore(%run_scoped3A_61 : memref<!tpu.dma_semaphore, #tpu.memory_space<semaphore_mem>>) src(%dma_wait3A_84 : memref<4x200xi32, #tpu.memory_space<hbm>>) dst(%dma_wait3A_82 : memref<4x200xi32, #tpu.memory_space<vmem>>)
      tpu.yield
    }) : () -> ()
    %dma_start3A = arith.constant 0 : i32
    %dma_start3A_5 = arith.constant 0 : i32
    %dma_start3A_6 = arith.constant 0 : i32
    %dma_start3A_7 = arith.constant 0 : i32
    %dma_start3A_8 = arith.constant 0 : i32
    %dma_start3A_9 = tpu.memref_slice %arg6[%dma_start3A_6, %dma_start3A_7, %dma_start3A_8] : memref<2x800x64xf32, #tpu.memory_space<vmem>> -> memref<1x200x64xf32, #tpu.memory_space<vmem>>
    %dma_start3A_10 = tpu.memref_squeeze %dma_start3A_9 : memref<1x200x64xf32, #tpu.memory_space<vmem>> -> memref<200x64xf32, #tpu.memory_space<vmem>>
    %dma_start3A_11 = arith.constant 0 : i32
    %dma_start3A_12 = tpu.memref_slice %arg5[%dma_start3A, %dma_start3A_5, %dma_start3A_11] : memref<2x4x200xi32, #tpu.memory_space<vmem>> -> memref<1x1x200xi32, #tpu.memory_space<vmem>>
    %dma_start3A_13 = tpu.memref_squeeze %dma_start3A_12 : memref<1x1x200xi32, #tpu.memory_space<vmem>> -> memref<200xi32, #tpu.memory_space<vmem>>
    %dma_start3A_14 = arith.constant 0 : i32
    %dma_start3A_15 = arith.constant 0 : i32
    %dma_start3A_16 = tpu.memref_slice %arg3[%dma_start3A_14, %dma_start3A_15] : memref<1000000x64xf32, #tpu.memory_space<hbm>> -> memref<1000000x64xf32, #tpu.memory_space<hbm>>
    tpu.enqueue_indirect_dma source(%dma_start3A_16 : memref<1000000x64xf32, #tpu.memory_space<hbm>>) target(%dma_start3A_10 : memref<200x64xf32, #tpu.memory_space<vmem>>) offsets(%dma_start3A_13 : memref<200xi32, #tpu.memory_space<vmem>>) semaphore(%arg7 : memref<!tpu.dma_semaphore, #tpu.memory_space<semaphore_mem>>)
    %dma_start3A_17 = arith.constant 0 : i32
    %dma_start3A_18 = arith.constant 1 : i32
    %dma_start3A_19 = arith.constant 0 : i32
    %dma_start3A_20 = arith.constant 200 : i32
    %dma_start3A_21 = arith.constant 0 : i32
    %dma_start3A_22 = tpu.memref_slice %arg6[%dma_start3A_19, %dma_start3A_20, %dma_start3A_21] : memref<2x800x64xf32, #tpu.memory_space<vmem>> -> memref<1x200x64xf32, #tpu.memory_space<vmem>>
    %dma_start3A_23 = tpu.memref_squeeze %dma_start3A_22 : memref<1x200x64xf32, #tpu.memory_space<vmem>> -> memref<200x64xf32, #tpu.memory_space<vmem>>
    %dma_start3A_24 = arith.constant 0 : i32
    %dma_start3A_25 = tpu.memref_slice %arg5[%dma_start3A_17, %dma_start3A_18, %dma_start3A_24] : memref<2x4x200xi32, #tpu.memory_space<vmem>> -> memref<1x1x200xi32, #tpu.memory_space<vmem>>
    %dma_start3A_26 = tpu.memref_squeeze %dma_start3A_25 : memref<1x1x200xi32, #tpu.memory_space<vmem>> -> memref<200xi32, #tpu.memory_space<vmem>>
    %dma_start3A_27 = arith.constant 0 : i32
    %dma_start3A_28 = arith.constant 0 : i32
    %dma_start3A_29 = tpu.memref_slice %arg3[%dma_start3A_27, %dma_start3A_28] : memref<1000000x64xf32, #tpu.memory_space<hbm>> -> memref<1000000x64xf32, #tpu.memory_space<hbm>>
    tpu.enqueue_indirect_dma source(%dma_start3A_29 : memref<1000000x64xf32, #tpu.memory_space<hbm>>) target(%dma_start3A_23 : memref<200x64xf32, #tpu.memory_space<vmem>>) offsets(%dma_start3A_26 : memref<200xi32, #tpu.memory_space<vmem>>) semaphore(%arg7 : memref<!tpu.dma_semaphore, #tpu.memory_space<semaphore_mem>>)
    %dma_start3A_30 = arith.constant 0 : i32
    %dma_start3A_31 = arith.constant 2 : i32
    %dma_start3A_32 = arith.constant 0 : i32
    %dma_start3A_33 = arith.constant 400 : i32
    %dma_start3A_34 = arith.constant 0 : i32
    %dma_start3A_35 = tpu.memref_slice %arg6[%dma_start3A_32, %dma_start3A_33, %dma_start3A_34] : memref<2x800x64xf32, #tpu.memory_space<vmem>> -> memref<1x200x64xf32, #tpu.memory_space<vmem>>
    %dma_start3A_36 = tpu.memref_squeeze %dma_start3A_35 : memref<1x200x64xf32, #tpu.memory_space<vmem>> -> memref<200x64xf32, #tpu.memory_space<vmem>>
    %dma_start3A_37 = arith.constant 0 : i32
    %dma_start3A_38 = tpu.memref_slice %arg5[%dma_start3A_30, %dma_start3A_31, %dma_start3A_37] : memref<2x4x200xi32, #tpu.memory_space<vmem>> -> memref<1x1x200xi32, #tpu.memory_space<vmem>>
    %dma_start3A_39 = tpu.memref_squeeze %dma_start3A_38 : memref<1x1x200xi32, #tpu.memory_space<vmem>> -> memref<200xi32, #tpu.memory_space<vmem>>
    %dma_start3A_40 = arith.constant 0 : i32
    %dma_start3A_41 = arith.constant 0 : i32
    %dma_start3A_42 = tpu.memref_slice %arg3[%dma_start3A_40, %dma_start3A_41] : memref<1000000x64xf32, #tpu.memory_space<hbm>> -> memref<1000000x64xf32, #tpu.memory_space<hbm>>
    tpu.enqueue_indirect_dma source(%dma_start3A_42 : memref<1000000x64xf32, #tpu.memory_space<hbm>>) target(%dma_start3A_36 : memref<200x64xf32, #tpu.memory_space<vmem>>) offsets(%dma_start3A_39 : memref<200xi32, #tpu.memory_space<vmem>>) semaphore(%arg7 : memref<!tpu.dma_semaphore, #tpu.memory_space<semaphore_mem>>)
    %dma_start3A_43 = arith.constant 0 : i32
    %dma_start3A_44 = arith.constant 3 : i32
    %dma_start3A_45 = arith.constant 0 : i32
    %dma_start3A_46 = arith.constant 600 : i32
    %dma_start3A_47 = arith.constant 0 : i32
    %dma_start3A_48 = tpu.memref_slice %arg6[%dma_start3A_45, %dma_start3A_46, %dma_start3A_47] : memref<2x800x64xf32, #tpu.memory_space<vmem>> -> memref<1x200x64xf32, #tpu.memory_space<vmem>>
    %dma_start3A_49 = tpu.memref_squeeze %dma_start3A_48 : memref<1x200x64xf32, #tpu.memory_space<vmem>> -> memref<200x64xf32, #tpu.memory_space<vmem>>
    %dma_start3A_50 = arith.constant 0 : i32
    %dma_start3A_51 = tpu.memref_slice %arg5[%dma_start3A_43, %dma_start3A_44, %dma_start3A_50] : memref<2x4x200xi32, #tpu.memory_space<vmem>> -> memref<1x1x200xi32, #tpu.memory_space<vmem>>
    %dma_start3A_52 = tpu.memref_squeeze %dma_start3A_51 : memref<1x1x200xi32, #tpu.memory_space<vmem>> -> memref<200xi32, #tpu.memory_space<vmem>>
    %dma_start3A_53 = arith.constant 0 : i32
    %dma_start3A_54 = arith.constant 0 : i32
    %dma_start3A_55 = tpu.memref_slice %arg3[%dma_start3A_53, %dma_start3A_54] : memref<1000000x64xf32, #tpu.memory_space<hbm>> -> memref<1000000x64xf32, #tpu.memory_space<hbm>>
    tpu.enqueue_indirect_dma source(%dma_start3A_55 : memref<1000000x64xf32, #tpu.memory_space<hbm>>) target(%dma_start3A_49 : memref<200x64xf32, #tpu.memory_space<vmem>>) offsets(%dma_start3A_52 : memref<200xi32, #tpu.memory_space<vmem>>) semaphore(%arg7 : memref<!tpu.dma_semaphore, #tpu.memory_space<semaphore_mem>>)
    %scan3A = arith.constant 0 : i32
    %scan3A_56 = arith.constant 0 : i32
    %scan3A_57 = arith.constant 64 : i32
    %scan3A_58 = arith.addi %scan3A_56, %scan3A_57 : i32
    %scan3A_59 = arith.constant 1 : i32
    scf.for %scan3A_61 = %scan3A_56 to %scan3A_58 step %scan3A_59  : i32 {
      %mul3A_62 = arith.constant 2 : i32
      %mul3A_63 = arith.muli %mul3A_62, %scan3A_61 : i32
      %add3A_64 = arith.constant 1 : i32
      %add3A_65 = arith.addi %mul3A_63, %add3A_64 : i32
      %mul3A_66 = arith.constant 4 : i32
      %mul3A_67 = arith.muli %add3A_65, %mul3A_66 : i32
      %add3A_68 = arith.addi %mul3A_2, %mul3A_67 : i32
      %run_scoped3A_69 = arith.constant 1 : i32
      "tpu.region"() ({
        %run_scoped3A_241 = tpu.sem_alloc : memref<!tpu.dma_semaphore, #tpu.memory_space<semaphore_mem>>
        %dma_start3A_242 = arith.constant 0 : i32
        %dma_start3A_243 = arith.constant 0 : i32
        %dma_start3A_244 = tpu.memref_slice %arg5[%run_scoped3A_69, %dma_start3A_242, %dma_start3A_243] : memref<2x4x200xi32, #tpu.memory_space<vmem>> -> memref<1x4x200xi32, #tpu.memory_space<vmem>>
        %dma_start3A_245 = tpu.memref_squeeze %dma_start3A_244 : memref<1x4x200xi32, #tpu.memory_space<vmem>> -> memref<4x200xi32, #tpu.memory_space<vmem>>
        %dma_start3A_246 = arith.constant 0 : i32
        %dma_start3A_247 = tpu.memref_slice %arg2[%add3A_68, %dma_start3A_246] : memref<16384x200xi32, #tpu.memory_space<hbm>> -> memref<4x200xi32, #tpu.memory_space<hbm>>
        %dma_start3A_248 = arith.constant 0 : i32
        %dma_start3A_249 = arith.constant 0 : i32
        %dma_start3A_250 = tpu.memref_slice %arg5[%run_scoped3A_69, %dma_start3A_248, %dma_start3A_249] : memref<2x4x200xi32, #tpu.memory_space<vmem>> -> memref<1x4x200xi32, #tpu.memory_space<vmem>>
        %dma_start3A_251 = tpu.memref_squeeze %dma_start3A_250 : memref<1x4x200xi32, #tpu.memory_space<vmem>> -> memref<4x200xi32, #tpu.memory_space<vmem>>
        %dma_start3A_252 = arith.constant 0 : i32
        %dma_start3A_253 = tpu.memref_slice %arg2[%add3A_68, %dma_start3A_252] : memref<16384x200xi32, #tpu.memory_space<hbm>> -> memref<4x200xi32, #tpu.memory_space<hbm>>
        tpu.enqueue_dma source(%dma_start3A_253 : memref<4x200xi32, #tpu.memory_space<hbm>>) target(%dma_start3A_251 : memref<4x200xi32, #tpu.memory_space<vmem>>) target_semaphore(%run_scoped3A_241 : memref<!tpu.dma_semaphore, #tpu.memory_space<semaphore_mem>>)
        %dma_wait3A_254 = arith.constant 0 : i32
        %dma_wait3A_255 = arith.constant 0 : i32
        %dma_wait3A_256 = tpu.memref_slice %arg5[%run_scoped3A_69, %dma_wait3A_254, %dma_wait3A_255] : memref<2x4x200xi32, #tpu.memory_space<vmem>> -> memref<1x4x200xi32, #tpu.memory_space<vmem>>
        %dma_wait3A_257 = tpu.memref_squeeze %dma_wait3A_256 : memref<1x4x200xi32, #tpu.memory_space<vmem>> -> memref<4x200xi32, #tpu.memory_space<vmem>>
        %dma_wait3A_258 = arith.constant 0 : i32
        %dma_wait3A_259 = tpu.memref_slice %arg2[%add3A_68, %dma_wait3A_258] : memref<16384x200xi32, #tpu.memory_space<hbm>> -> memref<4x200xi32, #tpu.memory_space<hbm>>
        %dma_wait3A_260 = arith.constant 0 : i32
        %dma_wait3A_261 = arith.constant 0 : i32
        %dma_wait3A_262 = tpu.memref_slice %arg5[%run_scoped3A_69, %dma_wait3A_260, %dma_wait3A_261] : memref<2x4x200xi32, #tpu.memory_space<vmem>> -> memref<1x4x200xi32, #tpu.memory_space<vmem>>
        %dma_wait3A_263 = tpu.memref_squeeze %dma_wait3A_262 : memref<1x4x200xi32, #tpu.memory_space<vmem>> -> memref<4x200xi32, #tpu.memory_space<vmem>>
        %dma_wait3A_264 = arith.constant 0 : i32
        %dma_wait3A_265 = tpu.memref_slice %arg2[%add3A_68, %dma_wait3A_264] : memref<16384x200xi32, #tpu.memory_space<hbm>> -> memref<4x200xi32, #tpu.memory_space<hbm>>
        tpu.wait_dma2 semaphore(%run_scoped3A_241 : memref<!tpu.dma_semaphore, #tpu.memory_space<semaphore_mem>>) src(%dma_wait3A_265 : memref<4x200xi32, #tpu.memory_space<hbm>>) dst(%dma_wait3A_263 : memref<4x200xi32, #tpu.memory_space<vmem>>)
        tpu.yield
      }) : () -> ()
      %dma_start3A_70 = arith.constant 1 : i32
      %dma_start3A_71 = arith.constant 0 : i32
      %dma_start3A_72 = arith.constant 1 : i32
      %dma_start3A_73 = arith.constant 0 : i32
      %dma_start3A_74 = arith.constant 0 : i32
      %dma_start3A_75 = tpu.memref_slice %arg6[%dma_start3A_72, %dma_start3A_73, %dma_start3A_74] : memref<2x800x64xf32, #tpu.memory_space<vmem>> -> memref<1x200x64xf32, #tpu.memory_space<vmem>>
      %dma_start3A_76 = tpu.memref_squeeze %dma_start3A_75 : memref<1x200x64xf32, #tpu.memory_space<vmem>> -> memref<200x64xf32, #tpu.memory_space<vmem>>
      %dma_start3A_77 = arith.constant 0 : i32
      %dma_start3A_78 = tpu.memref_slice %arg5[%dma_start3A_70, %dma_start3A_71, %dma_start3A_77] : memref<2x4x200xi32, #tpu.memory_space<vmem>> -> memref<1x1x200xi32, #tpu.memory_space<vmem>>
      %dma_start3A_79 = tpu.memref_squeeze %dma_start3A_78 : memref<1x1x200xi32, #tpu.memory_space<vmem>> -> memref<200xi32, #tpu.memory_space<vmem>>
      %dma_start3A_80 = arith.constant 0 : i32
      %dma_start3A_81 = arith.constant 0 : i32
      %dma_start3A_82 = tpu.memref_slice %arg3[%dma_start3A_80, %dma_start3A_81] : memref<1000000x64xf32, #tpu.memory_space<hbm>> -> memref<1000000x64xf32, #tpu.memory_space<hbm>>
      tpu.enqueue_indirect_dma source(%dma_start3A_82 : memref<1000000x64xf32, #tpu.memory_space<hbm>>) target(%dma_start3A_76 : memref<200x64xf32, #tpu.memory_space<vmem>>) offsets(%dma_start3A_79 : memref<200xi32, #tpu.memory_space<vmem>>) semaphore(%arg8 : memref<!tpu.dma_semaphore, #tpu.memory_space<semaphore_mem>>)
      %dma_start3A_83 = arith.constant 1 : i32
      %dma_start3A_84 = arith.constant 1 : i32
      %dma_start3A_85 = arith.constant 1 : i32
      %dma_start3A_86 = arith.constant 200 : i32
      %dma_start3A_87 = arith.constant 0 : i32
      %dma_start3A_88 = tpu.memref_slice %arg6[%dma_start3A_85, %dma_start3A_86, %dma_start3A_87] : memref<2x800x64xf32, #tpu.memory_space<vmem>> -> memref<1x200x64xf32, #tpu.memory_space<vmem>>
      %dma_start3A_89 = tpu.memref_squeeze %dma_start3A_88 : memref<1x200x64xf32, #tpu.memory_space<vmem>> -> memref<200x64xf32, #tpu.memory_space<vmem>>
      %dma_start3A_90 = arith.constant 0 : i32
      %dma_start3A_91 = tpu.memref_slice %arg5[%dma_start3A_83, %dma_start3A_84, %dma_start3A_90] : memref<2x4x200xi32, #tpu.memory_space<vmem>> -> memref<1x1x200xi32, #tpu.memory_space<vmem>>
      %dma_start3A_92 = tpu.memref_squeeze %dma_start3A_91 : memref<1x1x200xi32, #tpu.memory_space<vmem>> -> memref<200xi32, #tpu.memory_space<vmem>>
      %dma_start3A_93 = arith.constant 0 : i32
      %dma_start3A_94 = arith.constant 0 : i32
      %dma_start3A_95 = tpu.memref_slice %arg3[%dma_start3A_93, %dma_start3A_94] : memref<1000000x64xf32, #tpu.memory_space<hbm>> -> memref<1000000x64xf32, #tpu.memory_space<hbm>>
      tpu.enqueue_indirect_dma source(%dma_start3A_95 : memref<1000000x64xf32, #tpu.memory_space<hbm>>) target(%dma_start3A_89 : memref<200x64xf32, #tpu.memory_space<vmem>>) offsets(%dma_start3A_92 : memref<200xi32, #tpu.memory_space<vmem>>) semaphore(%arg8 : memref<!tpu.dma_semaphore, #tpu.memory_space<semaphore_mem>>)
      %dma_start3A_96 = arith.constant 1 : i32
      %dma_start3A_97 = arith.constant 2 : i32
      %dma_start3A_98 = arith.constant 1 : i32
      %dma_start3A_99 = arith.constant 400 : i32
      %dma_start3A_100 = arith.constant 0 : i32
      %dma_start3A_101 = tpu.memref_slice %arg6[%dma_start3A_98, %dma_start3A_99, %dma_start3A_100] : memref<2x800x64xf32, #tpu.memory_space<vmem>> -> memref<1x200x64xf32, #tpu.memory_space<vmem>>
      %dma_start3A_102 = tpu.memref_squeeze %dma_start3A_101 : memref<1x200x64xf32, #tpu.memory_space<vmem>> -> memref<200x64xf32, #tpu.memory_space<vmem>>
      %dma_start3A_103 = arith.constant 0 : i32
      %dma_start3A_104 = tpu.memref_slice %arg5[%dma_start3A_96, %dma_start3A_97, %dma_start3A_103] : memref<2x4x200xi32, #tpu.memory_space<vmem>> -> memref<1x1x200xi32, #tpu.memory_space<vmem>>
      %dma_start3A_105 = tpu.memref_squeeze %dma_start3A_104 : memref<1x1x200xi32, #tpu.memory_space<vmem>> -> memref<200xi32, #tpu.memory_space<vmem>>
      %dma_start3A_106 = arith.constant 0 : i32
      %dma_start3A_107 = arith.constant 0 : i32
      %dma_start3A_108 = tpu.memref_slice %arg3[%dma_start3A_106, %dma_start3A_107] : memref<1000000x64xf32, #tpu.memory_space<hbm>> -> memref<1000000x64xf32, #tpu.memory_space<hbm>>
      tpu.enqueue_indirect_dma source(%dma_start3A_108 : memref<1000000x64xf32, #tpu.memory_space<hbm>>) target(%dma_start3A_102 : memref<200x64xf32, #tpu.memory_space<vmem>>) offsets(%dma_start3A_105 : memref<200xi32, #tpu.memory_space<vmem>>) semaphore(%arg8 : memref<!tpu.dma_semaphore, #tpu.memory_space<semaphore_mem>>)
      %dma_start3A_109 = arith.constant 1 : i32
      %dma_start3A_110 = arith.constant 3 : i32
      %dma_start3A_111 = arith.constant 1 : i32
      %dma_start3A_112 = arith.constant 600 : i32
      %dma_start3A_113 = arith.constant 0 : i32
      %dma_start3A_114 = tpu.memref_slice %arg6[%dma_start3A_111, %dma_start3A_112, %dma_start3A_113] : memref<2x800x64xf32, #tpu.memory_space<vmem>> -> memref<1x200x64xf32, #tpu.memory_space<vmem>>
      %dma_start3A_115 = tpu.memref_squeeze %dma_start3A_114 : memref<1x200x64xf32, #tpu.memory_space<vmem>> -> memref<200x64xf32, #tpu.memory_space<vmem>>
      %dma_start3A_116 = arith.constant 0 : i32
      %dma_start3A_117 = tpu.memref_slice %arg5[%dma_start3A_109, %dma_start3A_110, %dma_start3A_116] : memref<2x4x200xi32, #tpu.memory_space<vmem>> -> memref<1x1x200xi32, #tpu.memory_space<vmem>>
      %dma_start3A_118 = tpu.memref_squeeze %dma_start3A_117 : memref<1x1x200xi32, #tpu.memory_space<vmem>> -> memref<200xi32, #tpu.memory_space<vmem>>
      %dma_start3A_119 = arith.constant 0 : i32
      %dma_start3A_120 = arith.constant 0 : i32
      %dma_start3A_121 = tpu.memref_slice %arg3[%dma_start3A_119, %dma_start3A_120] : memref<1000000x64xf32, #tpu.memory_space<hbm>> -> memref<1000000x64xf32, #tpu.memory_space<hbm>>
      tpu.enqueue_indirect_dma source(%dma_start3A_121 : memref<1000000x64xf32, #tpu.memory_space<hbm>>) target(%dma_start3A_115 : memref<200x64xf32, #tpu.memory_space<vmem>>) offsets(%dma_start3A_118 : memref<200xi32, #tpu.memory_space<vmem>>) semaphore(%arg8 : memref<!tpu.dma_semaphore, #tpu.memory_space<semaphore_mem>>)
      %dma_wait3A = arith.constant 0 : i32
      %dma_wait3A_122 = arith.constant 0 : i32
      %dma_wait3A_123 = arith.constant 0 : i32
      %dma_wait3A_124 = arith.constant 0 : i32
      %dma_wait3A_125 = arith.constant 0 : i32
      %dma_wait3A_126 = tpu.memref_slice %arg6[%dma_wait3A_123, %dma_wait3A_124, %dma_wait3A_125] : memref<2x800x64xf32, #tpu.memory_space<vmem>> -> memref<1x200x64xf32, #tpu.memory_space<vmem>>
      %dma_wait3A_127 = tpu.memref_squeeze %dma_wait3A_126 : memref<1x200x64xf32, #tpu.memory_space<vmem>> -> memref<200x64xf32, #tpu.memory_space<vmem>>
      %dma_wait3A_128 = arith.constant 0 : i32
      %dma_wait3A_129 = tpu.memref_slice %arg5[%dma_wait3A, %dma_wait3A_122, %dma_wait3A_128] : memref<2x4x200xi32, #tpu.memory_space<vmem>> -> memref<1x1x200xi32, #tpu.memory_space<vmem>>
      %dma_wait3A_130 = tpu.memref_squeeze %dma_wait3A_129 : memref<1x1x200xi32, #tpu.memory_space<vmem>> -> memref<200xi32, #tpu.memory_space<vmem>>
      %dma_wait3A_131 = arith.constant 0 : i32
      %dma_wait3A_132 = arith.constant 0 : i32
      %dma_wait3A_133 = tpu.memref_slice %arg3[%dma_wait3A_131, %dma_wait3A_132] : memref<1000000x64xf32, #tpu.memory_space<hbm>> -> memref<1000000x64xf32, #tpu.memory_space<hbm>>
      tpu.wait_indirect_dma semaphore(%arg7 : memref<!tpu.dma_semaphore, #tpu.memory_space<semaphore_mem>>) src(%dma_wait3A_133 : memref<1000000x64xf32, #tpu.memory_space<hbm>>) dst(%dma_wait3A_127 : memref<200x64xf32, #tpu.memory_space<vmem>>)
      %dma_wait3A_134 = arith.constant 0 : i32
      %dma_wait3A_135 = arith.constant 1 : i32
      %dma_wait3A_136 = arith.constant 0 : i32
      %dma_wait3A_137 = arith.constant 200 : i32
      %dma_wait3A_138 = arith.constant 0 : i32
      %dma_wait3A_139 = tpu.memref_slice %arg6[%dma_wait3A_136, %dma_wait3A_137, %dma_wait3A_138] : memref<2x800x64xf32, #tpu.memory_space<vmem>> -> memref<1x200x64xf32, #tpu.memory_space<vmem>>
      %dma_wait3A_140 = tpu.memref_squeeze %dma_wait3A_139 : memref<1x200x64xf32, #tpu.memory_space<vmem>> -> memref<200x64xf32, #tpu.memory_space<vmem>>
      %dma_wait3A_141 = arith.constant 0 : i32
      %dma_wait3A_142 = tpu.memref_slice %arg5[%dma_wait3A_134, %dma_wait3A_135, %dma_wait3A_141] : memref<2x4x200xi32, #tpu.memory_space<vmem>> -> memref<1x1x200xi32, #tpu.memory_space<vmem>>
      %dma_wait3A_143 = tpu.memref_squeeze %dma_wait3A_142 : memref<1x1x200xi32, #tpu.memory_space<vmem>> -> memref<200xi32, #tpu.memory_space<vmem>>
      %dma_wait3A_144 = arith.constant 0 : i32
      %dma_wait3A_145 = arith.constant 0 : i32
      %dma_wait3A_146 = tpu.memref_slice %arg3[%dma_wait3A_144, %dma_wait3A_145] : memref<1000000x64xf32, #tpu.memory_space<hbm>> -> memref<1000000x64xf32, #tpu.memory_space<hbm>>
      tpu.wait_indirect_dma semaphore(%arg7 : memref<!tpu.dma_semaphore, #tpu.memory_space<semaphore_mem>>) src(%dma_wait3A_146 : memref<1000000x64xf32, #tpu.memory_space<hbm>>) dst(%dma_wait3A_140 : memref<200x64xf32, #tpu.memory_space<vmem>>)
      %dma_wait3A_147 = arith.constant 0 : i32
      %dma_wait3A_148 = arith.constant 2 : i32
      %dma_wait3A_149 = arith.constant 0 : i32
      %dma_wait3A_150 = arith.constant 400 : i32
      %dma_wait3A_151 = arith.constant 0 : i32
      %dma_wait3A_152 = tpu.memref_slice %arg6[%dma_wait3A_149, %dma_wait3A_150, %dma_wait3A_151] : memref<2x800x64xf32, #tpu.memory_space<vmem>> -> memref<1x200x64xf32, #tpu.memory_space<vmem>>
      %dma_wait3A_153 = tpu.memref_squeeze %dma_wait3A_152 : memref<1x200x64xf32, #tpu.memory_space<vmem>> -> memref<200x64xf32, #tpu.memory_space<vmem>>
      %dma_wait3A_154 = arith.constant 0 : i32
      %dma_wait3A_155 = tpu.memref_slice %arg5[%dma_wait3A_147, %dma_wait3A_148, %dma_wait3A_154] : memref<2x4x200xi32, #tpu.memory_space<vmem>> -> memref<1x1x200xi32, #tpu.memory_space<vmem>>
      %dma_wait3A_156 = tpu.memref_squeeze %dma_wait3A_155 : memref<1x1x200xi32, #tpu.memory_space<vmem>> -> memref<200xi32, #tpu.memory_space<vmem>>
      %dma_wait3A_157 = arith.constant 0 : i32
      %dma_wait3A_158 = arith.constant 0 : i32
      %dma_wait3A_159 = tpu.memref_slice %arg3[%dma_wait3A_157, %dma_wait3A_158] : memref<1000000x64xf32, #tpu.memory_space<hbm>> -> memref<1000000x64xf32, #tpu.memory_space<hbm>>
      tpu.wait_indirect_dma semaphore(%arg7 : memref<!tpu.dma_semaphore, #tpu.memory_space<semaphore_mem>>) src(%dma_wait3A_159 : memref<1000000x64xf32, #tpu.memory_space<hbm>>) dst(%dma_wait3A_153 : memref<200x64xf32, #tpu.memory_space<vmem>>)
      %dma_wait3A_160 = arith.constant 0 : i32
      %dma_wait3A_161 = arith.constant 3 : i32
      %dma_wait3A_162 = arith.constant 0 : i32
      %dma_wait3A_163 = arith.constant 600 : i32
      %dma_wait3A_164 = arith.constant 0 : i32
      %dma_wait3A_165 = tpu.memref_slice %arg6[%dma_wait3A_162, %dma_wait3A_163, %dma_wait3A_164] : memref<2x800x64xf32, #tpu.memory_space<vmem>> -> memref<1x200x64xf32, #tpu.memory_space<vmem>>
      %dma_wait3A_166 = tpu.memref_squeeze %dma_wait3A_165 : memref<1x200x64xf32, #tpu.memory_space<vmem>> -> memref<200x64xf32, #tpu.memory_space<vmem>>
      %dma_wait3A_167 = arith.constant 0 : i32
      %dma_wait3A_168 = tpu.memref_slice %arg5[%dma_wait3A_160, %dma_wait3A_161, %dma_wait3A_167] : memref<2x4x200xi32, #tpu.memory_space<vmem>> -> memref<1x1x200xi32, #tpu.memory_space<vmem>>
      %dma_wait3A_169 = tpu.memref_squeeze %dma_wait3A_168 : memref<1x1x200xi32, #tpu.memory_space<vmem>> -> memref<200xi32, #tpu.memory_space<vmem>>
      %dma_wait3A_170 = arith.constant 0 : i32
      %dma_wait3A_171 = arith.constant 0 : i32
      %dma_wait3A_172 = tpu.memref_slice %arg3[%dma_wait3A_170, %dma_wait3A_171] : memref<1000000x64xf32, #tpu.memory_space<hbm>> -> memref<1000000x64xf32, #tpu.memory_space<hbm>>
      tpu.wait_indirect_dma semaphore(%arg7 : memref<!tpu.dma_semaphore, #tpu.memory_space<semaphore_mem>>) src(%dma_wait3A_172 : memref<1000000x64xf32, #tpu.memory_space<hbm>>) dst(%dma_wait3A_166 : memref<200x64xf32, #tpu.memory_space<vmem>>)
      %mul3A_173 = arith.constant 4 : i32
      %mul3A_174 = arith.muli %mul3A_63, %mul3A_173 : i32
      %add3A_175 = arith.addi %mul3A_2, %mul3A_174 : i32
      %mul3A_176 = arith.constant 200 : i32
      %mul3A_177 = arith.muli %add3A_175, %mul3A_176 : i32
      %run_scoped3A_178 = arith.constant 0 : i32
      "tpu.region"() ({
        %run_scoped3A_241 = tpu.sem_alloc : memref<!tpu.dma_semaphore, #tpu.memory_space<semaphore_mem>>
        %dma_start3A_242 = arith.constant 0 : i32
        %dma_start3A_243 = arith.constant 0 : i32
        %dma_start3A_244 = tpu.memref_slice %arg6[%run_scoped3A_178, %dma_start3A_242, %dma_start3A_243] : memref<2x800x64xf32, #tpu.memory_space<vmem>> -> memref<1x800x64xf32, #tpu.memory_space<vmem>>
        %dma_start3A_245 = tpu.memref_squeeze %dma_start3A_244 : memref<1x800x64xf32, #tpu.memory_space<vmem>> -> memref<800x64xf32, #tpu.memory_space<vmem>>
        %dma_start3A_246 = arith.constant 0 : i32
        %dma_start3A_247 = tpu.memref_slice %arg4[%mul3A_177, %dma_start3A_246] : memref<3276800x128xf32, #tpu.memory_space<hbm>> -> memref<800x64xf32, #tpu.memory_space<hbm>>
        %dma_start3A_248 = arith.constant 0 : i32
        %dma_start3A_249 = tpu.memref_slice %arg4[%mul3A_177, %dma_start3A_248] : memref<3276800x128xf32, #tpu.memory_space<hbm>> -> memref<800x64xf32, #tpu.memory_space<hbm>>
        %dma_start3A_250 = arith.constant 0 : i32
        %dma_start3A_251 = arith.constant 0 : i32
        %dma_start3A_252 = tpu.memref_slice %arg6[%run_scoped3A_178, %dma_start3A_250, %dma_start3A_251] : memref<2x800x64xf32, #tpu.memory_space<vmem>> -> memref<1x800x64xf32, #tpu.memory_space<vmem>>
        %dma_start3A_253 = tpu.memref_squeeze %dma_start3A_252 : memref<1x800x64xf32, #tpu.memory_space<vmem>> -> memref<800x64xf32, #tpu.memory_space<vmem>>
        tpu.enqueue_dma source(%dma_start3A_253 : memref<800x64xf32, #tpu.memory_space<vmem>>) target(%dma_start3A_249 : memref<800x64xf32, #tpu.memory_space<hbm>>) target_semaphore(%run_scoped3A_241 : memref<!tpu.dma_semaphore, #tpu.memory_space<semaphore_mem>>)
        %dma_wait3A_254 = arith.constant 0 : i32
        %dma_wait3A_255 = arith.constant 0 : i32
        %dma_wait3A_256 = tpu.memref_slice %arg6[%run_scoped3A_178, %dma_wait3A_254, %dma_wait3A_255] : memref<2x800x64xf32, #tpu.memory_space<vmem>> -> memref<1x800x64xf32, #tpu.memory_space<vmem>>
        %dma_wait3A_257 = tpu.memref_squeeze %dma_wait3A_256 : memref<1x800x64xf32, #tpu.memory_space<vmem>> -> memref<800x64xf32, #tpu.memory_space<vmem>>
        %dma_wait3A_258 = arith.constant 0 : i32
        %dma_wait3A_259 = tpu.memref_slice %arg4[%mul3A_177, %dma_wait3A_258] : memref<3276800x128xf32, #tpu.memory_space<hbm>> -> memref<800x64xf32, #tpu.memory_space<hbm>>
        %dma_wait3A_260 = arith.constant 0 : i32
        %dma_wait3A_261 = tpu.memref_slice %arg4[%mul3A_177, %dma_wait3A_260] : memref<3276800x128xf32, #tpu.memory_space<hbm>> -> memref<800x64xf32, #tpu.memory_space<hbm>>
        %dma_wait3A_262 = arith.constant 0 : i32
        %dma_wait3A_263 = arith.constant 0 : i32
        %dma_wait3A_264 = tpu.memref_slice %arg6[%run_scoped3A_178, %dma_wait3A_262, %dma_wait3A_263] : memref<2x800x64xf32, #tpu.memory_space<vmem>> -> memref<1x800x64xf32, #tpu.memory_space<vmem>>
        %dma_wait3A_265 = tpu.memref_squeeze %dma_wait3A_264 : memref<1x800x64xf32, #tpu.memory_space<vmem>> -> memref<800x64xf32, #tpu.memory_space<vmem>>
        tpu.wait_dma2 semaphore(%run_scoped3A_241 : memref<!tpu.dma_semaphore, #tpu.memory_space<semaphore_mem>>) src(%dma_wait3A_265 : memref<800x64xf32, #tpu.memory_space<vmem>>) dst(%dma_wait3A_261 : memref<800x64xf32, #tpu.memory_space<hbm>>)
        tpu.yield
      }) : () -> ()
      %lt3A = arith.constant 63 : i32
      %lt3A_179 = arith.cmpi slt, %scan3A_61, %lt3A : i32
      %convert_element_type3A = arith.extui %lt3A_179 : i1 to i32
      %cond3A = arith.constant 0 : i32
      %cond3A_180 = arith.cmpi ne, %convert_element_type3A, %cond3A : i32
      scf.if %cond3A_180 {
        %add3A_241 = arith.constant 2 : i32
        %add3A_242 = arith.addi %mul3A_63, %add3A_241 : i32
        %mul3A_243 = arith.constant 4 : i32
        %mul3A_244 = arith.muli %add3A_242, %mul3A_243 : i32
        %add3A_245 = arith.addi %mul3A_2, %mul3A_244 : i32
        %run_scoped3A_246 = arith.constant 0 : i32
        "tpu.region"() ({
          %run_scoped3A_299 = tpu.sem_alloc : memref<!tpu.dma_semaphore, #tpu.memory_space<semaphore_mem>>
          %dma_start3A_300 = arith.constant 0 : i32
          %dma_start3A_301 = arith.constant 0 : i32
          %dma_start3A_302 = tpu.memref_slice %arg5[%run_scoped3A_246, %dma_start3A_300, %dma_start3A_301] : memref<2x4x200xi32, #tpu.memory_space<vmem>> -> memref<1x4x200xi32, #tpu.memory_space<vmem>>
          %dma_start3A_303 = tpu.memref_squeeze %dma_start3A_302 : memref<1x4x200xi32, #tpu.memory_space<vmem>> -> memref<4x200xi32, #tpu.memory_space<vmem>>
          %dma_start3A_304 = arith.constant 0 : i32
          %dma_start3A_305 = tpu.memref_slice %arg2[%add3A_245, %dma_start3A_304] : memref<16384x200xi32, #tpu.memory_space<hbm>> -> memref<4x200xi32, #tpu.memory_space<hbm>>
          %dma_start3A_306 = arith.constant 0 : i32
          %dma_start3A_307 = arith.constant 0 : i32
          %dma_start3A_308 = tpu.memref_slice %arg5[%run_scoped3A_246, %dma_start3A_306, %dma_start3A_307] : memref<2x4x200xi32, #tpu.memory_space<vmem>> -> memref<1x4x200xi32, #tpu.memory_space<vmem>>
          %dma_start3A_309 = tpu.memref_squeeze %dma_start3A_308 : memref<1x4x200xi32, #tpu.memory_space<vmem>> -> memref<4x200xi32, #tpu.memory_space<vmem>>
          %dma_start3A_310 = arith.constant 0 : i32
          %dma_start3A_311 = tpu.memref_slice %arg2[%add3A_245, %dma_start3A_310] : memref<16384x200xi32, #tpu.memory_space<hbm>> -> memref<4x200xi32, #tpu.memory_space<hbm>>
          tpu.enqueue_dma source(%dma_start3A_311 : memref<4x200xi32, #tpu.memory_space<hbm>>) target(%dma_start3A_309 : memref<4x200xi32, #tpu.memory_space<vmem>>) target_semaphore(%run_scoped3A_299 : memref<!tpu.dma_semaphore, #tpu.memory_space<semaphore_mem>>)
          %dma_wait3A_312 = arith.constant 0 : i32
          %dma_wait3A_313 = arith.constant 0 : i32
          %dma_wait3A_314 = tpu.memref_slice %arg5[%run_scoped3A_246, %dma_wait3A_312, %dma_wait3A_313] : memref<2x4x200xi32, #tpu.memory_space<vmem>> -> memref<1x4x200xi32, #tpu.memory_space<vmem>>
          %dma_wait3A_315 = tpu.memref_squeeze %dma_wait3A_314 : memref<1x4x200xi32, #tpu.memory_space<vmem>> -> memref<4x200xi32, #tpu.memory_space<vmem>>
          %dma_wait3A_316 = arith.constant 0 : i32
          %dma_wait3A_317 = tpu.memref_slice %arg2[%add3A_245, %dma_wait3A_316] : memref<16384x200xi32, #tpu.memory_space<hbm>> -> memref<4x200xi32, #tpu.memory_space<hbm>>
          %dma_wait3A_318 = arith.constant 0 : i32
          %dma_wait3A_319 = arith.constant 0 : i32
          %dma_wait3A_320 = tpu.memref_slice %arg5[%run_scoped3A_246, %dma_wait3A_318, %dma_wait3A_319] : memref<2x4x200xi32, #tpu.memory_space<vmem>> -> memref<1x4x200xi32, #tpu.memory_space<vmem>>
          %dma_wait3A_321 = tpu.memref_squeeze %dma_wait3A_320 : memref<1x4x200xi32, #tpu.memory_space<vmem>> -> memref<4x200xi32, #tpu.memory_space<vmem>>
          %dma_wait3A_322 = arith.constant 0 : i32
          %dma_wait3A_323 = tpu.memref_slice %arg2[%add3A_245, %dma_wait3A_322] : memref<16384x200xi32, #tpu.memory_space<hbm>> -> memref<4x200xi32, #tpu.memory_space<hbm>>
          tpu.wait_dma2 semaphore(%run_scoped3A_299 : memref<!tpu.dma_semaphore, #tpu.memory_space<semaphore_mem>>) src(%dma_wait3A_323 : memref<4x200xi32, #tpu.memory_space<hbm>>) dst(%dma_wait3A_321 : memref<4x200xi32, #tpu.memory_space<vmem>>)
          tpu.yield
        }) : () -> ()
        %dma_start3A_247 = arith.constant 0 : i32
        %dma_start3A_248 = arith.constant 0 : i32
        %dma_start3A_249 = arith.constant 0 : i32
        %dma_start3A_250 = arith.constant 0 : i32
        %dma_start3A_251 = arith.constant 0 : i32
        %dma_start3A_252 = tpu.memref_slice %arg6[%dma_start3A_249, %dma_start3A_250, %dma_start3A_251] : memref<2x800x64xf32, #tpu.memory_space<vmem>> -> memref<1x200x64xf32, #tpu.memory_space<vmem>>
        %dma_start3A_253 = tpu.memref_squeeze %dma_start3A_252 : memref<1x200x64xf32, #tpu.memory_space<vmem>> -> memref<200x64xf32, #tpu.memory_space<vmem>>
        %dma_start3A_254 = arith.constant 0 : i32
        %dma_start3A_255 = tpu.memref_slice %arg5[%dma_start3A_247, %dma_start3A_248, %dma_start3A_254] : memref<2x4x200xi32, #tpu.memory_space<vmem>> -> memref<1x1x200xi32, #tpu.memory_space<vmem>>
        %dma_start3A_256 = tpu.memref_squeeze %dma_start3A_255 : memref<1x1x200xi32, #tpu.memory_space<vmem>> -> memref<200xi32, #tpu.memory_space<vmem>>
        %dma_start3A_257 = arith.constant 0 : i32
        %dma_start3A_258 = arith.constant 0 : i32
        %dma_start3A_259 = tpu.memref_slice %arg3[%dma_start3A_257, %dma_start3A_258] : memref<1000000x64xf32, #tpu.memory_space<hbm>> -> memref<1000000x64xf32, #tpu.memory_space<hbm>>
        tpu.enqueue_indirect_dma source(%dma_start3A_259 : memref<1000000x64xf32, #tpu.memory_space<hbm>>) target(%dma_start3A_253 : memref<200x64xf32, #tpu.memory_space<vmem>>) offsets(%dma_start3A_256 : memref<200xi32, #tpu.memory_space<vmem>>) semaphore(%arg7 : memref<!tpu.dma_semaphore, #tpu.memory_space<semaphore_mem>>)
        %dma_start3A_260 = arith.constant 0 : i32
        %dma_start3A_261 = arith.constant 1 : i32
        %dma_start3A_262 = arith.constant 0 : i32
        %dma_start3A_263 = arith.constant 200 : i32
        %dma_start3A_264 = arith.constant 0 : i32
        %dma_start3A_265 = tpu.memref_slice %arg6[%dma_start3A_262, %dma_start3A_263, %dma_start3A_264] : memref<2x800x64xf32, #tpu.memory_space<vmem>> -> memref<1x200x64xf32, #tpu.memory_space<vmem>>
        %dma_start3A_266 = tpu.memref_squeeze %dma_start3A_265 : memref<1x200x64xf32, #tpu.memory_space<vmem>> -> memref<200x64xf32, #tpu.memory_space<vmem>>
        %dma_start3A_267 = arith.constant 0 : i32
        %dma_start3A_268 = tpu.memref_slice %arg5[%dma_start3A_260, %dma_start3A_261, %dma_start3A_267] : memref<2x4x200xi32, #tpu.memory_space<vmem>> -> memref<1x1x200xi32, #tpu.memory_space<vmem>>
        %dma_start3A_269 = tpu.memref_squeeze %dma_start3A_268 : memref<1x1x200xi32, #tpu.memory_space<vmem>> -> memref<200xi32, #tpu.memory_space<vmem>>
        %dma_start3A_270 = arith.constant 0 : i32
        %dma_start3A_271 = arith.constant 0 : i32
        %dma_start3A_272 = tpu.memref_slice %arg3[%dma_start3A_270, %dma_start3A_271] : memref<1000000x64xf32, #tpu.memory_space<hbm>> -> memref<1000000x64xf32, #tpu.memory_space<hbm>>
        tpu.enqueue_indirect_dma source(%dma_start3A_272 : memref<1000000x64xf32, #tpu.memory_space<hbm>>) target(%dma_start3A_266 : memref<200x64xf32, #tpu.memory_space<vmem>>) offsets(%dma_start3A_269 : memref<200xi32, #tpu.memory_space<vmem>>) semaphore(%arg7 : memref<!tpu.dma_semaphore, #tpu.memory_space<semaphore_mem>>)
        %dma_start3A_273 = arith.constant 0 : i32
        %dma_start3A_274 = arith.constant 2 : i32
        %dma_start3A_275 = arith.constant 0 : i32
        %dma_start3A_276 = arith.constant 400 : i32
        %dma_start3A_277 = arith.constant 0 : i32
        %dma_start3A_278 = tpu.memref_slice %arg6[%dma_start3A_275, %dma_start3A_276, %dma_start3A_277] : memref<2x800x64xf32, #tpu.memory_space<vmem>> -> memref<1x200x64xf32, #tpu.memory_space<vmem>>
        %dma_start3A_279 = tpu.memref_squeeze %dma_start3A_278 : memref<1x200x64xf32, #tpu.memory_space<vmem>> -> memref<200x64xf32, #tpu.memory_space<vmem>>
        %dma_start3A_280 = arith.constant 0 : i32
        %dma_start3A_281 = tpu.memref_slice %arg5[%dma_start3A_273, %dma_start3A_274, %dma_start3A_280] : memref<2x4x200xi32, #tpu.memory_space<vmem>> -> memref<1x1x200xi32, #tpu.memory_space<vmem>>
        %dma_start3A_282 = tpu.memref_squeeze %dma_start3A_281 : memref<1x1x200xi32, #tpu.memory_space<vmem>> -> memref<200xi32, #tpu.memory_space<vmem>>
        %dma_start3A_283 = arith.constant 0 : i32
        %dma_start3A_284 = arith.constant 0 : i32
        %dma_start3A_285 = tpu.memref_slice %arg3[%dma_start3A_283, %dma_start3A_284] : memref<1000000x64xf32, #tpu.memory_space<hbm>> -> memref<1000000x64xf32, #tpu.memory_space<hbm>>
        tpu.enqueue_indirect_dma source(%dma_start3A_285 : memref<1000000x64xf32, #tpu.memory_space<hbm>>) target(%dma_start3A_279 : memref<200x64xf32, #tpu.memory_space<vmem>>) offsets(%dma_start3A_282 : memref<200xi32, #tpu.memory_space<vmem>>) semaphore(%arg7 : memref<!tpu.dma_semaphore, #tpu.memory_space<semaphore_mem>>)
        %dma_start3A_286 = arith.constant 0 : i32
        %dma_start3A_287 = arith.constant 3 : i32
        %dma_start3A_288 = arith.constant 0 : i32
        %dma_start3A_289 = arith.constant 600 : i32
        %dma_start3A_290 = arith.constant 0 : i32
        %dma_start3A_291 = tpu.memref_slice %arg6[%dma_start3A_288, %dma_start3A_289, %dma_start3A_290] : memref<2x800x64xf32, #tpu.memory_space<vmem>> -> memref<1x200x64xf32, #tpu.memory_space<vmem>>
        %dma_start3A_292 = tpu.memref_squeeze %dma_start3A_291 : memref<1x200x64xf32, #tpu.memory_space<vmem>> -> memref<200x64xf32, #tpu.memory_space<vmem>>
        %dma_start3A_293 = arith.constant 0 : i32
        %dma_start3A_294 = tpu.memref_slice %arg5[%dma_start3A_286, %dma_start3A_287, %dma_start3A_293] : memref<2x4x200xi32, #tpu.memory_space<vmem>> -> memref<1x1x200xi32, #tpu.memory_space<vmem>>
        %dma_start3A_295 = tpu.memref_squeeze %dma_start3A_294 : memref<1x1x200xi32, #tpu.memory_space<vmem>> -> memref<200xi32, #tpu.memory_space<vmem>>
        %dma_start3A_296 = arith.constant 0 : i32
        %dma_start3A_297 = arith.constant 0 : i32
        %dma_start3A_298 = tpu.memref_slice %arg3[%dma_start3A_296, %dma_start3A_297] : memref<1000000x64xf32, #tpu.memory_space<hbm>> -> memref<1000000x64xf32, #tpu.memory_space<hbm>>
        tpu.enqueue_indirect_dma source(%dma_start3A_298 : memref<1000000x64xf32, #tpu.memory_space<hbm>>) target(%dma_start3A_292 : memref<200x64xf32, #tpu.memory_space<vmem>>) offsets(%dma_start3A_295 : memref<200xi32, #tpu.memory_space<vmem>>) semaphore(%arg7 : memref<!tpu.dma_semaphore, #tpu.memory_space<semaphore_mem>>)
      } else {
      }
      %dma_wait3A_181 = arith.constant 1 : i32
      %dma_wait3A_182 = arith.constant 0 : i32
      %dma_wait3A_183 = arith.constant 1 : i32
      %dma_wait3A_184 = arith.constant 0 : i32
      %dma_wait3A_185 = arith.constant 0 : i32
      %dma_wait3A_186 = tpu.memref_slice %arg6[%dma_wait3A_183, %dma_wait3A_184, %dma_wait3A_185] : memref<2x800x64xf32, #tpu.memory_space<vmem>> -> memref<1x200x64xf32, #tpu.memory_space<vmem>>
      %dma_wait3A_187 = tpu.memref_squeeze %dma_wait3A_186 : memref<1x200x64xf32, #tpu.memory_space<vmem>> -> memref<200x64xf32, #tpu.memory_space<vmem>>
      %dma_wait3A_188 = arith.constant 0 : i32
      %dma_wait3A_189 = tpu.memref_slice %arg5[%dma_wait3A_181, %dma_wait3A_182, %dma_wait3A_188] : memref<2x4x200xi32, #tpu.memory_space<vmem>> -> memref<1x1x200xi32, #tpu.memory_space<vmem>>
      %dma_wait3A_190 = tpu.memref_squeeze %dma_wait3A_189 : memref<1x1x200xi32, #tpu.memory_space<vmem>> -> memref<200xi32, #tpu.memory_space<vmem>>
      %dma_wait3A_191 = arith.constant 0 : i32
      %dma_wait3A_192 = arith.constant 0 : i32
      %dma_wait3A_193 = tpu.memref_slice %arg3[%dma_wait3A_191, %dma_wait3A_192] : memref<1000000x64xf32, #tpu.memory_space<hbm>> -> memref<1000000x64xf32, #tpu.memory_space<hbm>>
      tpu.wait_indirect_dma semaphore(%arg8 : memref<!tpu.dma_semaphore, #tpu.memory_space<semaphore_mem>>) src(%dma_wait3A_193 : memref<1000000x64xf32, #tpu.memory_space<hbm>>) dst(%dma_wait3A_187 : memref<200x64xf32, #tpu.memory_space<vmem>>)
      %dma_wait3A_194 = arith.constant 1 : i32
      %dma_wait3A_195 = arith.constant 1 : i32
      %dma_wait3A_196 = arith.constant 1 : i32
      %dma_wait3A_197 = arith.constant 200 : i32
      %dma_wait3A_198 = arith.constant 0 : i32
      %dma_wait3A_199 = tpu.memref_slice %arg6[%dma_wait3A_196, %dma_wait3A_197, %dma_wait3A_198] : memref<2x800x64xf32, #tpu.memory_space<vmem>> -> memref<1x200x64xf32, #tpu.memory_space<vmem>>
      %dma_wait3A_200 = tpu.memref_squeeze %dma_wait3A_199 : memref<1x200x64xf32, #tpu.memory_space<vmem>> -> memref<200x64xf32, #tpu.memory_space<vmem>>
      %dma_wait3A_201 = arith.constant 0 : i32
      %dma_wait3A_202 = tpu.memref_slice %arg5[%dma_wait3A_194, %dma_wait3A_195, %dma_wait3A_201] : memref<2x4x200xi32, #tpu.memory_space<vmem>> -> memref<1x1x200xi32, #tpu.memory_space<vmem>>
      %dma_wait3A_203 = tpu.memref_squeeze %dma_wait3A_202 : memref<1x1x200xi32, #tpu.memory_space<vmem>> -> memref<200xi32, #tpu.memory_space<vmem>>
      %dma_wait3A_204 = arith.constant 0 : i32
      %dma_wait3A_205 = arith.constant 0 : i32
      %dma_wait3A_206 = tpu.memref_slice %arg3[%dma_wait3A_204, %dma_wait3A_205] : memref<1000000x64xf32, #tpu.memory_space<hbm>> -> memref<1000000x64xf32, #tpu.memory_space<hbm>>
      tpu.wait_indirect_dma semaphore(%arg8 : memref<!tpu.dma_semaphore, #tpu.memory_space<semaphore_mem>>) src(%dma_wait3A_206 : memref<1000000x64xf32, #tpu.memory_space<hbm>>) dst(%dma_wait3A_200 : memref<200x64xf32, #tpu.memory_space<vmem>>)
      %dma_wait3A_207 = arith.constant 1 : i32
      %dma_wait3A_208 = arith.constant 2 : i32
      %dma_wait3A_209 = arith.constant 1 : i32
      %dma_wait3A_210 = arith.constant 400 : i32
      %dma_wait3A_211 = arith.constant 0 : i32
      %dma_wait3A_212 = tpu.memref_slice %arg6[%dma_wait3A_209, %dma_wait3A_210, %dma_wait3A_211] : memref<2x800x64xf32, #tpu.memory_space<vmem>> -> memref<1x200x64xf32, #tpu.memory_space<vmem>>
      %dma_wait3A_213 = tpu.memref_squeeze %dma_wait3A_212 : memref<1x200x64xf32, #tpu.memory_space<vmem>> -> memref<200x64xf32, #tpu.memory_space<vmem>>
      %dma_wait3A_214 = arith.constant 0 : i32
      %dma_wait3A_215 = tpu.memref_slice %arg5[%dma_wait3A_207, %dma_wait3A_208, %dma_wait3A_214] : memref<2x4x200xi32, #tpu.memory_space<vmem>> -> memref<1x1x200xi32, #tpu.memory_space<vmem>>
      %dma_wait3A_216 = tpu.memref_squeeze %dma_wait3A_215 : memref<1x1x200xi32, #tpu.memory_space<vmem>> -> memref<200xi32, #tpu.memory_space<vmem>>
      %dma_wait3A_217 = arith.constant 0 : i32
      %dma_wait3A_218 = arith.constant 0 : i32
      %dma_wait3A_219 = tpu.memref_slice %arg3[%dma_wait3A_217, %dma_wait3A_218] : memref<1000000x64xf32, #tpu.memory_space<hbm>> -> memref<1000000x64xf32, #tpu.memory_space<hbm>>
      tpu.wait_indirect_dma semaphore(%arg8 : memref<!tpu.dma_semaphore, #tpu.memory_space<semaphore_mem>>) src(%dma_wait3A_219 : memref<1000000x64xf32, #tpu.memory_space<hbm>>) dst(%dma_wait3A_213 : memref<200x64xf32, #tpu.memory_space<vmem>>)
      %dma_wait3A_220 = arith.constant 1 : i32
      %dma_wait3A_221 = arith.constant 3 : i32
      %dma_wait3A_222 = arith.constant 1 : i32
      %dma_wait3A_223 = arith.constant 600 : i32
      %dma_wait3A_224 = arith.constant 0 : i32
      %dma_wait3A_225 = tpu.memref_slice %arg6[%dma_wait3A_222, %dma_wait3A_223, %dma_wait3A_224] : memref<2x800x64xf32, #tpu.memory_space<vmem>> -> memref<1x200x64xf32, #tpu.memory_space<vmem>>
      %dma_wait3A_226 = tpu.memref_squeeze %dma_wait3A_225 : memref<1x200x64xf32, #tpu.memory_space<vmem>> -> memref<200x64xf32, #tpu.memory_space<vmem>>
      %dma_wait3A_227 = arith.constant 0 : i32
      %dma_wait3A_228 = tpu.memref_slice %arg5[%dma_wait3A_220, %dma_wait3A_221, %dma_wait3A_227] : memref<2x4x200xi32, #tpu.memory_space<vmem>> -> memref<1x1x200xi32, #tpu.memory_space<vmem>>
      %dma_wait3A_229 = tpu.memref_squeeze %dma_wait3A_228 : memref<1x1x200xi32, #tpu.memory_space<vmem>> -> memref<200xi32, #tpu.memory_space<vmem>>
      %dma_wait3A_230 = arith.constant 0 : i32
      %dma_wait3A_231 = arith.constant 0 : i32
      %dma_wait3A_232 = tpu.memref_slice %arg3[%dma_wait3A_230, %dma_wait3A_231] : memref<1000000x64xf32, #tpu.memory_space<hbm>> -> memref<1000000x64xf32, #tpu.memory_space<hbm>>
      tpu.wait_indirect_dma semaphore(%arg8 : memref<!tpu.dma_semaphore, #tpu.memory_space<semaphore_mem>>) src(%dma_wait3A_232 : memref<1000000x64xf32, #tpu.memory_space<hbm>>) dst(%dma_wait3A_226 : memref<200x64xf32, #tpu.memory_space<vmem>>)
      %add3A_233 = arith.constant 1 : i32
      %add3A_234 = arith.addi %mul3A_63, %add3A_233 : i32
      %mul3A_235 = arith.constant 4 : i32
      %mul3A_236 = arith.muli %add3A_234, %mul3A_235 : i32
      %add3A_237 = arith.addi %mul3A_2, %mul3A_236 : i32
      %mul3A_238 = arith.constant 200 : i32
      %mul3A_239 = arith.muli %add3A_237, %mul3A_238 : i32
      %run_scoped3A_240 = arith.constant 1 : i32
      "tpu.region"() ({
        %run_scoped3A_241 = tpu.sem_alloc : memref<!tpu.dma_semaphore, #tpu.memory_space<semaphore_mem>>
        %dma_start3A_242 = arith.constant 0 : i32
        %dma_start3A_243 = arith.constant 0 : i32
        %dma_start3A_244 = tpu.memref_slice %arg6[%run_scoped3A_240, %dma_start3A_242, %dma_start3A_243] : memref<2x800x64xf32, #tpu.memory_space<vmem>> -> memref<1x800x64xf32, #tpu.memory_space<vmem>>
        %dma_start3A_245 = tpu.memref_squeeze %dma_start3A_244 : memref<1x800x64xf32, #tpu.memory_space<vmem>> -> memref<800x64xf32, #tpu.memory_space<vmem>>
        %dma_start3A_246 = arith.constant 0 : i32
        %dma_start3A_247 = tpu.memref_slice %arg4[%mul3A_239, %dma_start3A_246] : memref<3276800x128xf32, #tpu.memory_space<hbm>> -> memref<800x64xf32, #tpu.memory_space<hbm>>
        %dma_start3A_248 = arith.constant 0 : i32
        %dma_start3A_249 = tpu.memref_slice %arg4[%mul3A_239, %dma_start3A_248] : memref<3276800x128xf32, #tpu.memory_space<hbm>> -> memref<800x64xf32, #tpu.memory_space<hbm>>
        %dma_start3A_250 = arith.constant 0 : i32
        %dma_start3A_251 = arith.constant 0 : i32
        %dma_start3A_252 = tpu.memref_slice %arg6[%run_scoped3A_240, %dma_start3A_250, %dma_start3A_251] : memref<2x800x64xf32, #tpu.memory_space<vmem>> -> memref<1x800x64xf32, #tpu.memory_space<vmem>>
        %dma_start3A_253 = tpu.memref_squeeze %dma_start3A_252 : memref<1x800x64xf32, #tpu.memory_space<vmem>> -> memref<800x64xf32, #tpu.memory_space<vmem>>
        tpu.enqueue_dma source(%dma_start3A_253 : memref<800x64xf32, #tpu.memory_space<vmem>>) target(%dma_start3A_249 : memref<800x64xf32, #tpu.memory_space<hbm>>) target_semaphore(%run_scoped3A_241 : memref<!tpu.dma_semaphore, #tpu.memory_space<semaphore_mem>>)
        %dma_wait3A_254 = arith.constant 0 : i32
        %dma_wait3A_255 = arith.constant 0 : i32
        %dma_wait3A_256 = tpu.memref_slice %arg6[%run_scoped3A_240, %dma_wait3A_254, %dma_wait3A_255] : memref<2x800x64xf32, #tpu.memory_space<vmem>> -> memref<1x800x64xf32, #tpu.memory_space<vmem>>
        %dma_wait3A_257 = tpu.memref_squeeze %dma_wait3A_256 : memref<1x800x64xf32, #tpu.memory_space<vmem>> -> memref<800x64xf32, #tpu.memory_space<vmem>>
        %dma_wait3A_258 = arith.constant 0 : i32
        %dma_wait3A_259 = tpu.memref_slice %arg4[%mul3A_239, %dma_wait3A_258] : memref<3276800x128xf32, #tpu.memory_space<hbm>> -> memref<800x64xf32, #tpu.memory_space<hbm>>
        %dma_wait3A_260 = arith.constant 0 : i32
        %dma_wait3A_261 = tpu.memref_slice %arg4[%mul3A_239, %dma_wait3A_260] : memref<3276800x128xf32, #tpu.memory_space<hbm>> -> memref<800x64xf32, #tpu.memory_space<hbm>>
        %dma_wait3A_262 = arith.constant 0 : i32
        %dma_wait3A_263 = arith.constant 0 : i32
        %dma_wait3A_264 = tpu.memref_slice %arg6[%run_scoped3A_240, %dma_wait3A_262, %dma_wait3A_263] : memref<2x800x64xf32, #tpu.memory_space<vmem>> -> memref<1x800x64xf32, #tpu.memory_space<vmem>>
        %dma_wait3A_265 = tpu.memref_squeeze %dma_wait3A_264 : memref<1x800x64xf32, #tpu.memory_space<vmem>> -> memref<800x64xf32, #tpu.memory_space<vmem>>
        tpu.wait_dma2 semaphore(%run_scoped3A_241 : memref<!tpu.dma_semaphore, #tpu.memory_space<semaphore_mem>>) src(%dma_wait3A_265 : memref<800x64xf32, #tpu.memory_space<vmem>>) dst(%dma_wait3A_261 : memref<800x64xf32, #tpu.memory_space<hbm>>)
        tpu.yield
      }) : () -> ()
    }
    %scan3A_60 = arith.constant 64 : i32
    return
  }
}

</mosaic_0001>

<sc_bundles>
// kernel: kernel.3.cloned.1.call-start
scs
__scs_entry_jumppad:
0x0: {  	(pc) =	sbr.rel $0x88, $3  }
0x1: {  	(tag) =	ssettag $0x0;
	lr =	simm.s32 $0x1  }
0x2: {  	[smem:$0x3F9F] =	sst lr;
	_ =	strace $0xD0000000  }
0x3: {  	_ = 	snop  }
0x4: {  	_ = 	snop  }
0x5: {  	_ = 	snop  }
0x6: {  	_ = 	snop  }
0x7: {  	_ = 	snop  }
__scs_overlays_trampoline_lowered:
0x8: {  	[smem:$0x3FAE] =	sst s0  }
0x9: {  	[smem:$0x3FAF] =	sst s1  }
0xa: {  	[smem:$0x3FB0] =	sst s2  }
0xb: {  	[smem:$0x3FB1] =	sst s3  }
0xc: {  	[smem:$0x3FB2] =	sst s4  }
0xd: {  	[smem:$0x3FB3] =	sst s5  }
0xe: {  	[smem:$0x3FB4] =	sst s6  }
0xf: {  	[smem:$0x3FB5] =	sst s7  }
0x10: {  	[smem:$0x3FB6] =	sst s8  }
0x11: {  	[smem:$0x3FB7] =	sst s9;
	s0 =	simm.s32 @!p0 $0x0  }
0x12: {  	s1 =	sld [smem:$0x3F9D];
	s0 =	simm.s32 @p0 $0x1  }
0x13: {  	[smem:$0x3FB8] =	sst s0;
	s0 =	simm.s32 @!p1 $0x0  }
0x14: {  	s2 =	sld [smem:$0x3F9C];
	s0 =	simm.s32 @p1 $0x1  }
0x15: {  	[smem:$0x3FB9] =	sst s0;
	s0 =	simm.s32 @!p2 $0x0  }
0x16: {  	s3 =	sld [smem:$0x3FDB];
	s0 =	simm.s32 @p2 $0x1  }
0x17: {  	s4 =	simm.s32 $0x1BF5;
	[smem:$0x3FBB] =	sst s0  }
0x18: {  	s0 =	sld [smem:$0x3F9E];
	_ =	swait.ge [sflag:s4], $0x0  }
0x19: {  	s7 =	sld [smem:$0x3F9F]  }
0x1a: {  	s8 =	sadd.s32 $0xFFFFE003, lr  }
0x1b: {  	s9 =	sadd.s32 $0xFFFFFEF7, lr;
	s5 =	simm.s32 $0xFFFFFFFF;
	p2 =	slt.u32 s8, $0xFFFFF086  }
0x1c: {  	p1 =	slt.u32 s9, $0xF7A;
	s5 =	simm.s32 @!p2 $0x0  }
0x1d: {  	s5 =	simm.s32 @p1 $0x1;
	p0 =	seq.s32 s7, s2  }
0x1e: {  	s7 =	smul.u32 @!p0 $0xF7A, s2;
	p2 =	seq.s32 @!p0 s5, $0x0  }
0x1f: {  	s9 =	smul.u32 $0xF7A, s1;
	s8 =	simm.s32 @!p0 $0x1BF5;
	p2 =	por !p2, p0  }
0x20: {  	[sflag:s8] =	ssyncset.s32 @!p0 $0xFFFFF086;
	s6 =	sadd.s32 @!p0 s3, s7;
	s7 =	simm.s32 @!p0 $0x108  }
0x21: {  	s3 =	sadd.s32 s3, s9;
	s6 =	sadd.s32 @!p0 $0x88, s6;
	s7 =	simm.s32 @p2 $0x1082  }
0x22: {  	[simem:s7], [sflag:s8] =	dma.local @!p0 [hbm:s6], $0xF7A  }
0x23: {  	s9 =	sor.u32 $0xD0000000, s2;
	s6 =	simm.s32 $0x108;
	_ =	swait.ge @!p0 [sflag:s8], $0x0  }
0x24: {  	s3 =	sadd.s32 $0x88, s3;
	s6 =	simm.s32 @!p1 $0x1082;
	[sflag:s4] =	ssyncset.s32 $0xFFFFF086  }
0x25: {  	[simem:s6], [sflag:s4] =	dma.local [hbm:s3], $0xF7A  }
0x26: {  	[smem:$0x3F9F] =	sst s1;
	(tag) =	ssettag s2;
	_ =	strace s9  }
0x27: {  	s1 =	sld [smem:$0x3FAF]  }
0x28: {  	s2 =	sld [smem:$0x3FB0]  }
0x29: {  	s4 =	sld [smem:$0x3FB2]  }
0x2a: {  	p0 =	seq.s32 s5, $0x0;
	s5 =	sld [smem:$0x3FB3]  }
0x2b: {  	s6 =	sld [smem:$0x3FB4]  }
0x2c: {  	s7 =	sld [smem:$0x3FB5]  }
0x2d: {  	s3 =	simm.s32 $0x108;
	s8 =	sld [smem:$0x3FB6]  }
0x2e: {  	s3 =	simm.s32 @!p0 $0x1082;
	s9 =	sld [smem:$0x3FB7]  }
0x2f: {  	lr =	sadd.s32 s0, s3;
	s0 =	sld [smem:$0x3FAE]  }
0x30: {  	s3 =	sld [smem:$0x3FB1]  }
0x31: {  	[smem:$0x3FBA] =	sst s10  }
0x32: {  	s10 =	sld [smem:$0x3FB8];
	_ =	sdelay $0x3  }
0x33: {  	p0 =	seq.s32 s10, $0x1;
	s10 =	sld [smem:$0x3FBA];
	_ =	sdelay $0x3  }
0x34: {  	[smem:$0x3FBA] =	sst s10  }
0x35: {  	s10 =	sld [smem:$0x3FB9];
	_ =	sdelay $0x3  }
0x36: {  	p1 =	seq.s32 s10, $0x1;
	s10 =	sld [smem:$0x3FBA];
	_ =	sdelay $0x3  }
0x37: {  	[smem:$0x3FBA] =	sst s10  }
0x38: {  	s10 =	sld [smem:$0x3FBB]  }
0x39: {  	_ = 	snop;
	(pc) =	sbr.ind lr, $3  }
0x3a: {  	_ = 	snop  }
0x3b: {  	_ = 	snop  }
0x3c: {  	p2 =	seq.s32 s10, $0x1;
	s10 =	sld [smem:$0x3FBA]  }
0x3d: {  	_ =	shalt  }
0x3e: {  	_ =	shalt  }
0x3f: {  	_ =	shalt  }
0x40: {  	_ =	shalt  }
0x41: {  	_ =	shalt  }
0x42: {  	_ =	shalt  }
0x43: {  	_ =	shalt  }
0x44: {  	_ =	shalt  }
0x45: {  	_ =	shalt  }
0x46: {  	_ =	shalt  }
0x47: {  	_ =	shalt  }
0x48: {  	_ =	shalt  }
0x49: {  	_ =	shalt  }
0x4a: {  	_ =	shalt  }
0x4b: {  	_ =	shalt  }
0x4c: {  	_ =	shalt  }
0x4d: {  	_ =	shalt  }
0x4e: {  	_ =	shalt  }
0x4f: {  	_ =	shalt  }
0x50: {  	_ =	shalt  }
0x51: {  	_ =	shalt  }
0x52: {  	_ =	shalt  }
0x53: {  	_ =	shalt  }
0x54: {  	_ =	shalt  }
0x55: {  	_ =	shalt  }
0x56: {  	_ =	shalt  }
0x57: {  	_ =	shalt  }
0x58: {  	_ =	shalt  }
0x59: {  	_ =	shalt  }
0x5a: {  	_ =	shalt  }
0x5b: {  	_ =	shalt  }
0x5c: {  	_ =	shalt  }
0x5d: {  	_ =	shalt  }
0x5e: {  	_ =	shalt  }
0x5f: {  	_ =	shalt  }
0x60: {  	_ =	shalt  }
0x61: {  	_ =	shalt  }
0x62: {  	_ =	shalt  }
0x63: {  	_ =	shalt  }
0x64: {  	_ =	shalt  }
0x65: {  	_ =	shalt  }
0x66: {  	_ =	shalt  }
0x67: {  	_ =	shalt  }
0x68: {  	_ =	shalt  }
0x69: {  	_ =	shalt  }
0x6a: {  	_ =	shalt  }
0x6b: {  	_ =	shalt  }
0x6c: {  	_ =	shalt  }
0x6d: {  	_ =	shalt  }
0x6e: {  	_ =	shalt  }
0x6f: {  	_ =	shalt  }
0x70: {  	_ =	shalt  }
0x71: {  	_ =	shalt  }
0x72: {  	_ =	shalt  }
0x73: {  	_ =	shalt  }
0x74: {  	_ =	shalt  }
0x75: {  	_ =	shalt  }
0x76: {  	_ =	shalt  }
0x77: {  	_ =	shalt  }
0x78: {  	_ =	shalt  }
0x79: {  	_ =	shalt  }
0x7a: {  	_ =	shalt  }
0x7b: {  	_ =	shalt  }
0x7c: {  	_ =	shalt  }
0x7d: {  	_ =	shalt  }
0x7e: {  	_ =	shalt  }
0x7f: {  	_ =	shalt  }
0x80: {  	_ =	shalt  }
0x81: {  	_ =	shalt  }
0x82: {  	_ =	shalt  }
0x83: {  	_ =	shalt  }
0x84: {  	_ =	shalt  }
0x85: {  	_ =	shalt  }
0x86: {  	_ =	shalt  }
0x87: {  	_ =	shalt  }
.Lfunc_end0:
.L_simem_size_0:
called_computation.1_lowered:
.L_overlay_start_0:
0x88: {  	s2 =	sld [smem:$0x3FD9]  }
0x89: {  	s3 =	sld [smem:$0x3FFE];
	_ =	sdelay $0x1  }
0x8a: {  	s1 =	srdreg.scid  }
0x8b: {  	s0 =	sand.u32 $0x1, s1  }
0x8c: {  	s16 =	sshll.u32 s0, $0xA;
	s2 =	sadd.s32 s3, s2  }
0x8d: {  	s2 =	sadd.s32 s2, s16  }
0x8e: {  	[smem:$0x3FC6] =	sst s2  }
0x8f: {  	_ = 	snop  }
0x90: {  	(tm) =	ssettm $0x1  }
0x91: {  	s17 =	sld [smem:$0x3FFB];
	_ =	sdelay $0x3  }
0x92: {  	_ =	strace s17  }
0x93: {  	s2 =	sld [smem:$0x3FFC];
	_ =	sdelay $0x3  }
0x94: {  	_ =	strace s2  }
0x95: {  	s2 =	sld [smem:$0x3FFD];
	_ =	sdelay $0x3  }
0x96: {  	_ =	strace s2  }
0x97: {  	_ =	strace $0x8FFFFFFF  }
0x98: {  	s18 =	sld [smem:$0x3FDB];
	_ =	sdelay $0x1  }
0x99: {  	s19 =	simm.s32 $_scs_section_size  }
0x9a: {  	s4 =	simm.s32 $_size__tile_overlayer_lowered;
	s5 =	simm.s32 $_tile_overlayer_lowered  }
0x9b: {  	s22 =	simm.s32 $0x1BFF;
	s21 =	sshll.u32 s5, $0x1;
	s2 =	sadd.s32 s19, s18  }
0x9c: {  	s6 =	simm.s32 $0x0;
	s20 =	sshll.u32 s4, $0x1;
	s4 =	sadd.s32 s21, s2  }
0x9d: {  	[timem:s6], [sflag:s22] =	dma.local [hbm:s4], s20  }
0x9e: {  	_ =	swait.ge [sflag:s22], s20  }
0x9f: {  	s3 =	ssub.s32 $0x0, s20;
	[sflag:s22] =	ssyncset.done $0x0  }
0xa0: {  	[sflag:s22] =	ssyncadd.s32 s3;
	_ =	sdelay $0x1  }
0xa1: {  	s23 =	simm.s32 $0x1B8B  }
0xa2: {  	_ =	swait.ge [sflag:s23], $0x1  }
0xa3: {  	[sflag:s23] =	ssyncset.done $0x0  }
0xa4: {  	s25 =	simm.s32 $0x1B8E;
	s24 =	sld [smem:$0x3FFE];
	[sflag:s23] =	ssyncadd.s32 $0xFFFFFFFF  }
0xa5: {  	s26 =	simm.s32 $execute0_lowered;
	[smem:$0x3FD2] =	sst s25  }
0xa6: {  	s4 =	sshll.u32 s26, $0x1;
	_ =	strace $0x80000046;
	[dreg:$0x1] =	wrdreg $0xFFFFFFFF  }
0xa7: {  	s28 =	simm.s32 $_size_execute0_lowered;
	s2 =	sadd.s32 s2, s4;
	[dreg:$0x0] =	wrdreg $0x0  }
0xa8: {  	s4 =	sshll.u32 s28, $0x1;
	[dreg:$0x2] =	wrdreg s2  }
0xa9: {  	[dreg:$0x3] =	wrdreg s4  }
0xaa: {  	[dreg:$0x4] =	wrdreg $0xC0  }
0xab: {  	_ =	task [dreg:s6], $0x5FFFF  }
0xac: {  	[dreg:$0x1] =	wrdreg $0xFFFFFFFF  }
0xad: {  	[dreg:$0x0] =	wrdreg $0x60  }
0xae: {  	[dreg:$0x2] =	wrdreg s24  }
0xaf: {  	[dreg:$0x3] =	wrdreg $0x9  }
0xb0: {  	_ =	task.clear_ibuf [dreg:s6], $0x4FFFF;
	_ =	strace $0x90000046  }
0xb1: {  	s29 =	simm.s32 $0x9;
	_ =	strace $0x80000048  }
0xb2: {  	_ =	swait.ge [sflag:s29], $0x1  }
0xb3: {  	[sflag:s29] =	ssyncadd.s32 $0xFFFFFFFF  }
0xb4: {  	_ =	strace $0x90000048  }
0xb5: {  	_ =	sfence  }
0xb6: {  	s30 =	sld [smem:$0x0];
	_ =	sdelay $0x2  }
0xb7: {  	s31 =	sshll.u32 s1, $0xD;
	s1 =	sshrl.u32 s1, $0x2  }
0xb8: {  	s3 =	sand.u32 $0x4000, s31;
	s1 =	sadd.s32 s1, s30  }
0xb9: {  	s0 =	sor.u32 s3, s0;
	s1 =	sshll.u32 s1, $0x11  }
0xba: {  	s0 =	sor.u32 s1, s0  }
0xbb: {  	s0 =	sadd.s32 $0x8F2B, s0  }
0xbc: {  	[sflag:s0] =	ssyncadd.remote.s32 $0x1  }
0xbd: {  	_ =	sfence.sel $0xFFFF  }
0xbe: {  	[dreg:$0x0] =	wrdreg $0xFFFFFFFF;
	(pc) =	sbr.abs _section_cstart, $3  }
0xbf: {  	[dreg:$0x1] =	wrdreg $0xFFFFFFFF  }
0xc0: {  	_ =	task.clear_ibuf [dreg:s6], $0x2FFFF;
	_ =	strace $0x9FFFFFFF  }
0xc1: {  	(tm) =	ssettm $0x7FFFFFFF  }
tec
execute0_lowered:
.L_overlay_start_1:
0x0: {  	(tag) =	ssettag $0x1  }
0x1: {  	s0 =	srdreg.scid;
	s4 =	rddreg [dreg:$0x0]  }
0x2: {  	s1 =	stileid.u32;
	s2 =	simm.s32 $0x0;
	s13 =	simm.s32 $0x258  }
0x3: {  	s14 =	simm.s32 $0x9C40;
	s15 =	simm.s32 $0x320;
	s16 =	simm.s32 $0xCE40  }
0x4: {  	s17 =	simm.s32 $0x3E8;
	s18 =	simm.s32 $0x10040;
	s19 =	simm.s32 $0x4B0  }
0x5: {  	s20 =	simm.s32 $0x13240;
	s21 =	simm.s32 $0x578;
	s22 =	simm.s32 $0x16440  }
0x6: {  	s23 =	simm.s32 $0x1;
	s24 =	simm.s32 $0x40;
	s25 =	simm.s32 $0x80  }
0x7: {  	s28 =	simm.s32 $0x0;
	s5 =	sand.u32 $0x1, s0;
	s7 =	smul.u32 $0x320000, s1  }
0x8: {  	s3 =	sshll.u32 s1, $0xA;
	[smem:$0x7FF] =	sst s2;
	s11 =	smul.u32 $0x6400, s1  }
0x9: {  	s8 =	sadd.s32 $0x800, s4;
	s6 =	sshll.u32 s5, $0x9;
	s9 =	smul.u32 $0x190000, s5  }
0xa: {  	_ =	strace $0x80000047;
	s10 =	ssub.s32 $0x2, s5;
	s5 =	smul.u32 $0x3200, s5  }
0xb: {  	s3 =	sor.u32 s6, s3;
	s26 =	sshrl.u32 s10, $0x1;
	s29 =	sadd.s32 s11, s8  }
0xc: {  	s6 =	smul.u32 $0x19, s3;
	s3 =	sadd.s32 $0x64800, s4;
	s4 =	sadd.s32 s7, s4  }
0xd: {  	s7 =	ssub.s32 s10, s26;
	s31 =	sadd.s32 s5, s29;
	s26 =	simm.s32 $0x2  }
0xe: {  	s9 =	sadd.s32 s9, s4;
	s5 =	smax.u32 s7, $0x1;
	s7 =	simm.s32 $0x3  }
0xf: {  	s4 =	sadd.s32 s8, s6;
	s30 =	sadd.s32 $0x805A00, s9;
	s6 =	sadd.s32 $0x64, s31  }
0x10: {  	s8 =	simm.s32 $0xC8;
	s9 =	simm.s32 $0x640;
	[dreg:$0x2] =	wrdreg s30  }
.LBB2_1:
0x11: {  	[tilespmem:s2], [sflag:$0x3] =	stream.linear.gather [hbm4b:s4+s2], $0x320, $0x38;
	[tilespmem:$0x19640] =	vst v63  }
0x12: {  	_ =	swait.ge [sflag:s7], $0x320  }
0x13: {  	[sflag:s7] =	ssyncset.done $0x0  }
0x14: {  	[sflag:s7] =	ssyncadd.s32 $0xFFFFFCE0  }
0x15: {  	[tilespmem:s9], [sflag:$0x1] =	stream.indirect.gather [hbm4b:s3+s8], $0x40, s2, s8, $0xb8;
	[tilespmem:$0x19640] =	vst v63  }
0x16: {  	s0 =	simm.s32 $0x3840  }
0x17: {  	[tilespmem:s0], [sflag:$0x1] =	stream.indirect.gather [hbm4b:s3+s8], $0x40, s8, s8, $0xb8;
	[tilespmem:$0x19640] =	vst v63  }
0x18: {  	s12 =	simm.s32 $0x190;
	s1 =	simm.s32 $0x6A40  }
0x19: {  	[tilespmem:s1], [sflag:$0x1] =	stream.indirect.gather [hbm4b:s3+s8], $0x40, s12, s8, $0xb8;
	[tilespmem:$0x19640] =	vst v63  }
0x1a: {  	_ = 	snop  }
0x1b: {  	[tilespmem:s14], [sflag:$0x1] =	stream.indirect.gather [hbm4b:s3+s8], $0x40, s13, s8, $0xb8;
	[tilespmem:$0x19640] =	vst v63  }
0x1c: {  	_ = 	snop  }
0x1d: {  	[tilespmem:s15], [sflag:$0x3] =	stream.linear.gather [hbm4b:s6+s2], $0x320, $0x38;
	[tilespmem:$0x19640] =	vst v63  }
0x1e: {  	_ =	swait.ge [sflag:s7], $0x320  }
0x1f: {  	[sflag:s7] =	ssyncset.done $0x0  }
0x20: {  	[sflag:s7] =	ssyncadd.s32 $0xFFFFFCE0  }
0x21: {  	[tilespmem:s16], [sflag:$0x2] =	stream.indirect.gather [hbm4b:s3+s8], $0x40, s15, s8, $0xb8;
	[tilespmem:$0x19640] =	vst v63  }
0x22: {  	_ = 	snop  }
0x23: {  	[tilespmem:s18], [sflag:$0x2] =	stream.indirect.gather [hbm4b:s3+s8], $0x40, s17, s8, $0xb8;
	[tilespmem:$0x19640] =	vst v63  }
0x24: {  	_ = 	snop  }
0x25: {  	[tilespmem:s20], [sflag:$0x2] =	stream.indirect.gather [hbm4b:s3+s8], $0x40, s19, s8, $0xb8;
	[tilespmem:$0x19640] =	vst v63  }
0x26: {  	_ = 	snop  }
0x27: {  	[tilespmem:s22], [sflag:$0x2] =	stream.indirect.gather [hbm4b:s3+s8], $0x40, s21, s8, $0xb8;
	[tilespmem:$0x19640] =	vst v63  }
0x28: {  	_ =	swait.ge [sflag:s23], $0x3200  }
0x29: {  	[sflag:s23] =	ssyncset.done $0x0  }
0x2a: {  	[sflag:s23] =	ssyncadd.s32 $0xFFFFCE00  }
0x2b: {  	_ =	swait.ge [sflag:s23], $0x3200  }
0x2c: {  	[sflag:s23] =	ssyncset.done $0x0  }
0x2d: {  	[sflag:s23] =	ssyncadd.s32 $0xFFFFCE00  }
0x2e: {  	_ =	swait.ge [sflag:s23], $0x3200  }
0x2f: {  	[sflag:s23] =	ssyncset.done $0x0  }
0x30: {  	[sflag:s23] =	ssyncadd.s32 $0xFFFFCE00  }
0x31: {  	_ =	swait.ge [sflag:s23], $0x3200  }
0x32: {  	s29 =	rddreg [dreg:$0x2];
	[sflag:s23] =	ssyncset.done $0x0  }
0x33: {  	[sflag:s23] =	ssyncadd.s32 $0xFFFFCE00;
	s29 =	sadd.s32 $0x0, s29  }
0x34: {  	[hbm4b:s29+s24] =	stream.strided.scatter [tilespmem:s9], [sflag:$0x3], $0xC800, s25, s24, $0x38;
	[tilespmem:$0x19640] =	vst v63  }
0x35: {  	p0 =	por $0x0, $0x0;
	_ =	swait.ge [sflag:s7], $0xC800  }
0x36: {  	s30 =	sadd.s32 @!p0 $0x64, s6;
	[sflag:s7] =	ssyncset.done $0x0  }
0x37: {  	s31 =	simm.s32 @!p0 $0x0;
	s0 =	simm.s32 @!p0 $0x3;
	[sflag:s7] =	ssyncadd.s32 $0xFFFF3800  }
0x38: {  	[tilespmem:s31], [sflag:$0x3] =	stream.linear.gather @!p0 [hbm4b:s30+s31], $0x320, $0x38;
	[tilespmem:$0x19640] =	vst v63  }
0x39: {  	_ =	swait.ge @!p0 [sflag:s0], $0x320  }
0x3a: {  	[sflag:s0] =	ssyncset.done @!p0 $0x0  }
0x3b: {  	s30 =	simm.s32 @!p0 $0xC8;
	[sflag:s0] =	ssyncadd.s32 @!p0 $0xFFFFFCE0;
	s0 =	simm.s32 @!p0 $0x640  }
0x3c: {  	[tilespmem:s0], [sflag:$0x1] =	stream.indirect.gather @!p0 [hbm4b:s3+s30], $0x40, s31, s30, $0xb8;
	[tilespmem:$0x19640] =	vst v63  }
0x3d: {  	s0 =	simm.s32 @!p0 $0x3840  }
0x3e: {  	[tilespmem:s0], [sflag:$0x1] =	stream.indirect.gather @!p0 [hbm4b:s3+s30], $0x40, s30, s30, $0xb8;
	[tilespmem:$0x19640] =	vst v63  }
0x3f: {  	s31 =	simm.s32 @!p0 $0x6A40;
	s0 =	simm.s32 @!p0 $0x190  }
0x40: {  	[tilespmem:s31], [sflag:$0x1] =	stream.indirect.gather @!p0 [hbm4b:s3+s30], $0x40, s0, s30, $0xb8;
	[tilespmem:$0x19640] =	vst v63  }
0x41: {  	s0 =	simm.s32 @!p0 $0x258;
	s31 =	simm.s32 @!p0 $0x9C40  }
0x42: {  	[tilespmem:s31], [sflag:$0x1] =	stream.indirect.gather @!p0 [hbm4b:s3+s30], $0x40, s0, s30, $0xb8;
	[tilespmem:$0x19640] =	vst v63  }
0x43: {  	_ =	swait.ge [sflag:s26], $0x3200  }
0x44: {  	[sflag:s26] =	ssyncset.done $0x0  }
0x45: {  	[sflag:s26] =	ssyncadd.s32 $0xFFFFCE00  }
0x46: {  	_ =	swait.ge [sflag:s26], $0x3200  }
0x47: {  	[sflag:s26] =	ssyncset.done $0x0  }
0x48: {  	[sflag:s26] =	ssyncadd.s32 $0xFFFFCE00  }
0x49: {  	_ =	swait.ge [sflag:s26], $0x3200  }
0x4a: {  	[sflag:s26] =	ssyncset.done $0x0  }
0x4b: {  	[sflag:s26] =	ssyncadd.s32 $0xFFFFCE00  }
0x4c: {  	_ =	swait.ge [sflag:s26], $0x3200  }
0x4d: {  	[sflag:s26] =	ssyncset.done $0x0  }
0x4e: {  	s31 =	sadd.s32 $0x3200, s29;
	[sflag:s26] =	ssyncadd.s32 $0xFFFFCE00  }
0x4f: {  	[hbm4b:s31+s24] =	stream.strided.scatter [tilespmem:s16], [sflag:$0x3], $0xC800, s25, s24, $0x38;
	[tilespmem:$0x19640] =	vst v63  }
0x50: {  	s29 =	simm.s32 $0x6400;
	s30 =	smov.u32 s6;
	_ =	swait.ge [sflag:s7], $0xC800  }
.LBB2_2:
0x51: {  	[sflag:s7] =	ssyncset.done $0x0  }
0x52: {  	s30 =	sadd.s32 $0xC8, s30;
	[sflag:s7] =	ssyncadd.s32 $0xFFFF3800  }
0x53: {  	[tilespmem:s15], [sflag:$0x3] =	stream.linear.gather [hbm4b:s30+s2], $0x320, $0x38;
	[tilespmem:$0x19640] =	vst v63  }
0x54: {  	_ =	swait.ge [sflag:s7], $0x320  }
0x55: {  	[sflag:s7] =	ssyncset.done $0x0  }
0x56: {  	[sflag:s7] =	ssyncadd.s32 $0xFFFFFCE0  }
0x57: {  	[tilespmem:s16], [sflag:$0x2] =	stream.indirect.gather [hbm4b:s3+s8], $0x40, s15, s8, $0xb8;
	[tilespmem:$0x19640] =	vst v63  }
0x58: {  	_ = 	snop  }
0x59: {  	[tilespmem:s18], [sflag:$0x2] =	stream.indirect.gather [hbm4b:s3+s8], $0x40, s17, s8, $0xb8;
	[tilespmem:$0x19640] =	vst v63  }
0x5a: {  	_ = 	snop  }
0x5b: {  	[tilespmem:s20], [sflag:$0x2] =	stream.indirect.gather [hbm4b:s3+s8], $0x40, s19, s8, $0xb8;
	[tilespmem:$0x19640] =	vst v63  }
0x5c: {  	_ = 	snop  }
0x5d: {  	[tilespmem:s22], [sflag:$0x2] =	stream.indirect.gather [hbm4b:s3+s8], $0x40, s21, s8, $0xb8;
	[tilespmem:$0x19640] =	vst v63  }
0x5e: {  	_ =	swait.ge [sflag:s23], $0x3200  }
0x5f: {  	[sflag:s23] =	ssyncset.done $0x0  }
0x60: {  	[sflag:s23] =	ssyncadd.s32 $0xFFFFCE00  }
0x61: {  	_ =	swait.ge [sflag:s23], $0x3200  }
0x62: {  	[sflag:s23] =	ssyncset.done $0x0  }
0x63: {  	[sflag:s23] =	ssyncadd.s32 $0xFFFFCE00  }
0x64: {  	_ =	swait.ge [sflag:s23], $0x3200  }
0x65: {  	[sflag:s23] =	ssyncset.done $0x0  }
0x66: {  	[sflag:s23] =	ssyncadd.s32 $0xFFFFCE00  }
0x67: {  	_ =	swait.ge [sflag:s23], $0x3200  }
0x68: {  	s0 =	smov.u32 s29;
	s31 =	rddreg [dreg:$0x2];
	[sflag:s23] =	ssyncset.done $0x0  }
0x69: {  	[sflag:s23] =	ssyncadd.s32 $0xFFFFCE00;
	s31 =	sadd.s32 s0, s31  }
0x6a: {  	[hbm4b:s31+s24] =	stream.strided.scatter [tilespmem:s9], [sflag:$0x3], $0xC800, s25, s24, $0x38;
	[tilespmem:$0x19640] =	vst v63  }
0x6b: {  	p1 =	seq.s32 s0, $0x189C00;
	_ =	swait.ge [sflag:s7], $0xC800  }
0x6c: {  	s1 =	simm.s32 @!p1 $0x0;
	[sflag:s7] =	ssyncset.done $0x0  }
0x6d: {  	s10 =	simm.s32 @!p1 $0x3;
	s0 =	sadd.s32 @!p1 $0x64, s30;
	[sflag:s7] =	ssyncadd.s32 $0xFFFF3800  }
0x6e: {  	[tilespmem:s1], [sflag:$0x3] =	stream.linear.gather @!p1 [hbm4b:s0+s1], $0x320, $0x38;
	[tilespmem:$0x19640] =	vst v63  }
0x6f: {  	_ =	swait.ge @!p1 [sflag:s10], $0x320  }
0x70: {  	[sflag:s10] =	ssyncset.done @!p1 $0x0  }
0x71: {  	s11 =	simm.s32 @!p1 $0x640;
	s0 =	simm.s32 @!p1 $0xC8;
	[sflag:s10] =	ssyncadd.s32 @!p1 $0xFFFFFCE0  }
0x72: {  	[tilespmem:s11], [sflag:$0x1] =	stream.indirect.gather @!p1 [hbm4b:s3+s0], $0x40, s1, s0, $0xb8;
	[tilespmem:$0x19640] =	vst v63  }
0x73: {  	s10 =	simm.s32 @!p1 $0x3840  }
0x74: {  	[tilespmem:s10], [sflag:$0x1] =	stream.indirect.gather @!p1 [hbm4b:s3+s0], $0x40, s0, s0, $0xb8;
	[tilespmem:$0x19640] =	vst v63  }
0x75: {  	s1 =	simm.s32 @!p1 $0x190;
	s11 =	simm.s32 @!p1 $0x6A40  }
0x76: {  	[tilespmem:s11], [sflag:$0x1] =	stream.indirect.gather @!p1 [hbm4b:s3+s0], $0x40, s1, s0, $0xb8;
	[tilespmem:$0x19640] =	vst v63  }
0x77: {  	s12 =	simm.s32 @!p1 $0x9C40;
	s10 =	simm.s32 @!p1 $0x258  }
0x78: {  	[tilespmem:s12], [sflag:$0x1] =	stream.indirect.gather @!p1 [hbm4b:s3+s0], $0x40, s10, s0, $0xb8;
	[tilespmem:$0x19640] =	vst v63  }
0x79: {  	_ =	swait.ge [sflag:s26], $0x3200  }
0x7a: {  	[sflag:s26] =	ssyncset.done $0x0  }
0x7b: {  	[sflag:s26] =	ssyncadd.s32 $0xFFFFCE00  }
0x7c: {  	_ =	swait.ge [sflag:s26], $0x3200  }
0x7d: {  	[sflag:s26] =	ssyncset.done $0x0  }
0x7e: {  	[sflag:s26] =	ssyncadd.s32 $0xFFFFCE00  }
0x7f: {  	_ =	swait.ge [sflag:s26], $0x3200  }
0x80: {  	s29 =	sadd.s32 $0x6400, s29;
	[sflag:s26] =	ssyncset.done $0x0  }
0x81: {  	p0 =	sne.s32 s29, $0x190000;
	[sflag:s26] =	ssyncadd.s32 $0xFFFFCE00  }
.Ltmp0:
0x82: {  	_ =	swait.ge [sflag:s26], $0x3200;
	(pc) =	sbr.rel @p0 .LBB2_2-.Ltmp0, $4  }
0x83: {  	[sflag:s26] =	ssyncset.done $0x0  }
0x84: {  	s31 =	sadd.s32 $0x3200, s31;
	[sflag:s26] =	ssyncadd.s32 $0xFFFFCE00  }
0x85: {  	[hbm4b:s31+s24] =	stream.strided.scatter [tilespmem:s16], [sflag:$0x3], $0xC800, s25, s24, $0x38;
	[tilespmem:$0x19640] =	vst v63  }
0x86: {  	_ =	swait.ge [sflag:s7], $0xC800  }
0x87: {  	s28 =	sadd.s32 $0x1, s28  }
0x88: {  	p0 =	sne.s32 s28, s5  }
.Ltmp1:
0x89: {  	_ = 	snop;
	(pc) =	sbr.rel @p0 .LBB2_1-.Ltmp1, $3  }
0x8a: {  	_ =	sdelay $0x1  }
0x8b: {  	[sflag:s7] =	ssyncset.done $0x0  }
0x8c: {  	[sflag:s7] =	ssyncadd.s32 $0xFFFF3800  }
0x8d: {  	_ =	sfence.sel $0x180000  }
0x8e: {  	[bflag:$0x0] =	sbarrier.arrive $0xFFFF  }
0x8f: {  	_ =	strace $0x90000047  }
0x90: {  	s0 =	stileid.u32;
	[bflag:$0x2] =	sbarrier.arrive $0xFFFF  }
0x91: {  	p0 =	sne.s32 s0, $0x0;
	s0 =	rddreg [dreg:$0x1]  }
0x92: {  	s0 =	sadd.s32 @!p0 $0x100000, s0  }
0x93: {  	[sflag:s0] =	ssyncadd.tile.s32 @!p0 $0x1;
	_ =	shalt  }
.Lfunc_end2:
_tile_overlayer_lowered:
.L_overlay_start_2:
0x94: {  	(tag) =	ssettag $0x2  }
0x95: {  	s0 =	rddreg [dreg:$0x0];
	s2 =	stileid.u32  }
0x96: {  	s1 =	rddreg [dreg:$0x1];
	p0 =	sne.s32 s2, $0x0  }
0x97: {  	s3 =	rddreg [dreg:$0x2];
	[bflag:$0x3] =	sbarrier.arrive $0xFFFF;
	s2 =	simm.s32 @!p0 $0x1C03  }
0x98: {  	[timem:s3], [sflag:s2] =	dma.local @!p0 [hbm:s0], s1  }
0x99: {  	s0 =	simm.s32 @!p0 $0x3  }
0x9a: {  	_ =	swait.ge @!p0 [sflag:s0], s1  }
0x9b: {  	s1 =	ssub.s32 @!p0 $0x0, s1;
	[sflag:s0] =	ssyncset.done @!p0 $0x0  }
0x9c: {  	[sflag:s0] =	ssyncadd.s32 @!p0 s1  }
0x9d: {  	[bflag:$0x3] =	sbarrier.arrive $0xFFFF  }
0x9e: {  	_ =	shalt  }

// kernel: sparse-core-data-format-call.cloned.1.call-start
scs
called_computation_lowered:
.L_overlay_start_0:
0x0: {  	s2 =	sld [smem:$0x3FD9]  }
0x1: {  	s3 =	sld [smem:$0x3FFE];
	_ =	sdelay $0x1  }
0x2: {  	s1 =	srdreg.scid  }
0x3: {  	s0 =	sand.u32 $0x1, s1  }
0x4: {  	s18 =	sshll.u32 s0, $0xA;
	s2 =	sadd.s32 s3, s2  }
0x5: {  	s2 =	sadd.s32 s2, s18  }
0x6: {  	[smem:$0x3FC6] =	sst s2  }
0x7: {  	_ = 	snop  }
0x8: {  	s2 =	sld [smem:$0x3FD0];
	(tm) =	ssettm $0x1  }
0x9: {  	s19 =	sld [smem:$0x3FFB];
	_ =	sdelay $0x3  }
0xa: {  	_ =	strace s19  }
0xb: {  	s3 =	sld [smem:$0x3FFC];
	_ =	sdelay $0x3  }
0xc: {  	_ =	strace s3  }
0xd: {  	s3 =	sld [smem:$0x3FFD];
	_ =	sdelay $0x3  }
0xe: {  	_ =	strace s3  }
0xf: {  	_ =	strace $0x8FFFFFFF  }
0x10: {  	s20 =	sld [smem:$0x3FDB];
	_ =	sdelay $0x1  }
0x11: {  	s4 =	simm.s32 $_scs_section_size  }
0x12: {  	s5 =	simm.s32 $_size__tile_overlayer_lowered;
	s6 =	simm.s32 $_tile_overlayer_lowered  }
0x13: {  	s23 =	simm.s32 $0x1BFF;
	s22 =	sshll.u32 s6, $0x1;
	s3 =	sadd.s32 s4, s20  }
0x14: {  	s7 =	simm.s32 $0x0;
	s21 =	sshll.u32 s5, $0x1;
	s5 =	sadd.s32 s22, s3  }
0x15: {  	[timem:s7], [sflag:s23] =	dma.local [hbm:s5], s21  }
0x16: {  	_ =	swait.ge [sflag:s23], s21  }
0x17: {  	s4 =	ssub.s32 $0x0, s21;
	[sflag:s23] =	ssyncset.done $0x0  }
0x18: {  	[sflag:s23] =	ssyncadd.s32 s4;
	_ =	sdelay $0x1  }
0x19: {  	s24 =	simm.s32 $0x1B8B  }
0x1a: {  	_ =	swait.ge [sflag:s24], $0x1  }
0x1b: {  	[sflag:s24] =	ssyncset.done $0x0  }
0x1c: {  	s26 =	simm.s32 $0x1B8E;
	s25 =	sld [smem:$0x3FFE];
	[sflag:s24] =	ssyncadd.s32 $0xFFFFFFFF  }
0x1d: {  	s27 =	simm.s32 $execute0_lowered;
	[smem:$0x3FD2] =	sst s26  }
0x1e: {  	s5 =	sshll.u32 s27, $0x1;
	_ =	strace $0x80000049;
	[dreg:$0x1] =	wrdreg $0xFFFFFFFF  }
0x1f: {  	s28 =	simm.s32 $_size_execute0_lowered;
	s3 =	sadd.s32 s3, s5;
	[dreg:$0x0] =	wrdreg $0x0  }
0x20: {  	s5 =	sshll.u32 s28, $0x1;
	[dreg:$0x2] =	wrdreg s3  }
0x21: {  	[dreg:$0x3] =	wrdreg s5  }
0x22: {  	[dreg:$0x4] =	wrdreg $0xC0  }
0x23: {  	_ =	task [dreg:s7], $0x5FFFF  }
0x24: {  	[dreg:$0x1] =	wrdreg $0xFFFFFFFF  }
0x25: {  	[dreg:$0x0] =	wrdreg $0x60  }
0x26: {  	[dreg:$0x2] =	wrdreg s25  }
0x27: {  	[dreg:$0x3] =	wrdreg s2  }
0x28: {  	[dreg:$0x4] =	wrdreg $0x9  }
0x29: {  	_ =	task.clear_ibuf [dreg:s7], $0x5FFFF;
	_ =	strace $0x90000049  }
0x2a: {  	s29 =	simm.s32 $0x9;
	_ =	strace $0x8000004B  }
0x2b: {  	_ =	swait.ge [sflag:s29], $0x1  }
0x2c: {  	[sflag:s29] =	ssyncadd.s32 $0xFFFFFFFF  }
0x2d: {  	_ =	strace $0x9000004B  }
0x2e: {  	_ =	sfence  }
0x2f: {  	s30 =	sld [smem:$0x0];
	_ =	sdelay $0x2  }
0x30: {  	s31 =	sshll.u32 s1, $0xD;
	s1 =	sshrl.u32 s1, $0x2  }
0x31: {  	s3 =	sand.u32 $0x4000, s31;
	s1 =	sadd.s32 s1, s30  }
0x32: {  	s0 =	sor.u32 s3, s0;
	s1 =	sshll.u32 s1, $0x11  }
0x33: {  	s0 =	sor.u32 s1, s0  }
0x34: {  	s0 =	sadd.s32 $0x8F2B, s0  }
0x35: {  	[sflag:s0] =	ssyncadd.remote.s32 $0x1  }
0x36: {  	_ =	sfence.sel $0xFFFF  }
0x37: {  	[dreg:$0x0] =	wrdreg $0xFFFFFFFF;
	(pc) =	sbr.abs _section_cstart, $3  }
0x38: {  	[dreg:$0x1] =	wrdreg $0xFFFFFFFF  }
0x39: {  	_ =	task.clear_ibuf [dreg:s7], $0x2FFFF;
	_ =	strace $0x9FFFFFFF  }
0x3a: {  	(tm) =	ssettm $0x7FFFFFFF  }
0x3b: {  	_ =	shalt  }
tec
execute0_lowered:
.L_overlay_start_1:
0x0: {  	(tag) =	ssettag $0x1  }
0x1: {  	s0 =	srdreg.scid  }
0x2: {  	s1 =	sshll.u32 s0, $0x4  }
0x3: {  	s0 =	stileid.u32;
	s1 =	sand.u32 $0x10, s1  }
0x4: {  	s1 =	sor.u32 s0, s1  }
0x5: {  	s6 =	rddreg [dreg:$0x0];
	s4 =	simm.s32 $0x1;
	s2 =	sshll.u32 s1, $0x7  }
0x6: {  	s7 =	simm.s32 $0x2;
	s12 =	simm.s32 $0x0;
	s1 =	ssub.s32 $0x4000, s2  }
0x7: {  	s8 =	simm.s32 $0x20000;
	s13 =	simm.s32 $0x0;
	s3 =	sand.u32 $0xF80, s1  }
0x8: {  	s9 =	simm.s32 $0x0;
	s5 =	sshrl.u32 s1, $0xC;
	p0 =	sne.s32 s3, $0x0  }
.Ltmp0:
0x9: {  	s1 =	rddreg [dreg:$0x2];
	s4 =	simm.s32 @!p0 $0x0;
	(pc) =	sbr.rel .LBB1_1-.Ltmp0, $4  }
0xa: {  	s11 =	simm.s32 $0x0;
	s3 =	rddreg [dreg:$0x1];
	s5 =	sadd.s32 s4, s5  }
0xb: {  	_ =	strace $0x8000004A;
	s4 =	simm.s32 $0x1;
	s5 =	smul.u32 $0xC8, s5  }
0xc: {  	s6 =	sadd.s32 $0x805A00, s6;
	s10 =	smov.u32 s2;
	[sflag:s4] =	ssyncpa.u1 $0x0  }
0xd: {  	p0 =	por $0x0, $0x0;
	[sflag:s7] =	ssyncpa.u1 $0x0;
	s7 =	sor.u32 $0x1, s5  }
.LBB1_4:
0xe: {  	s16 =	sshll.u32 s13, $0x3;
	s17 =	sand.u32 $0x78, s13  }
0xf: {  	s30 =	sand.u32 $0x1F800, s13;
	s12 =	sshll.u32 s12, $0x11;
	s16 =	sand.u32 $0x3C00, s16  }
0x10: {  	[tilespmem:s15+$0x810 ss:$0x81] =	vst.msk $0xffff, v2;
	s31 =	sand.u32 $0x7, s13;
	s16 =	sor.u32 s17, s16;
	s17 =	sadd.s32 s3, s30  }
0x11: {  	[tilespmem:s15+$0x1020 ss:$0x81] =	vst.msk $0xffff, v0;
	s13 =	sshll.u32 s31, $0x12;
	s12 =	sadd.s32 s12, s17;
	s16 =	sshrl.u32 s16, $0x3  }
0x12: {  	[tilespmem:s15+$0x0 ss:$0x81] =	vst.msk $0xffff, v1;
	s13 =	sor.u32 $0x400, s13;
	s12 =	sadd.s32 s16, s12  }
0x13: {  	[hbm4b:s12+s13] =	stream.strided.scatter [tilespmem:s14], [sflag:$0x2], $0x2000, s8, s13, $0x20;
	[tilespmem:$0x8080] =	vst v63  }
.LBB1_5:
0x14: {  	s14 =	sadd.s32 $0x1, s9  }
0x15: {  	s12 =	sadd.s32 $0x1000, s10;
	s16 =	smov.u32 s10;
	p2 =	sgt.s32 s14, $0xC7  }
0x16: {  	s16 =	smov.u32 @p2 s12  }
0x17: {  	s14 =	simm.s32 @p2 $0x0;
	p2 =	sgt.s32 s16, $0x3FFF  }
0x18: {  	s16 =	smov.u32 @p2 s2;
	p2 =	sne.s32 s11, s7  }
.Ltmp1:
0x19: {  	p1 =	slt.u32 s11, $0x2;
	(pc) =	sbr.rel @!p2 .LBB1_6-.Ltmp1, $4  }
0x1a: {  	s15 =	simm.s32 @!p1 $0x2  }
0x1b: {  	s13 =	smov.u32 s10;
	p0 =	por !p0, !p0;
	_ =	swait.ge @!p1 [sflag:s15], $0x2000  }
0x1c: {  	s12 =	smov.u32 s9;
	[sflag:s15] =	ssyncset.done @!p1 $0x0;
	s9 =	smov.u32 s14  }
0x1d: {  	s11 =	sadd.s32 $0x1, s11;
	[sflag:s15] =	ssyncadd.s32 @!p1 $0xFFFFE000;
	s10 =	smov.u32 s16  }
.LBB1_1:
0x1e: {  	p1 =	sge.u32 s11, s5  }
0x1f: {  	s14 =	sand.u32 @!p1 $0x1FFFFFF, s9  }
0x20: {  	s15 =	smulhi.u32 @!p1 $0x147AE15, s14;
	_ =	sdelay $0x1  }
0x21: {  	s15 =	smul.u32 @!p1 $0xC8, s15  }
0x22: {  	s16 =	sxor.u32 @!p1 $0xFFFFFFFF, s11;
	s17 =	smul.u32 @!p1 $0xC80, s10  }
0x23: {  	s31 =	sadd.s32 $0xFFFFFFFF, s11;
	s16 =	sshll.u32 @!p1 s16, $0xD;
	s14 =	ssub.s32 @!p1 s14, s15  }
0x24: {  	s15 =	sand.u32 @!p1 $0x2000, s16;
	s16 =	sadd.s32 @!p1 s6, s17;
	s14 =	sshll.u32 @!p1 s14, $0x4  }
0x25: {  	s17 =	simm.s32 @!p1 $0x6400;
	s14 =	sadd.s32 @!p1 s14, s16;
	s16 =	simm.s32 @!p1 $0x40  }
0x26: {  	[tilespmem:s15], [sflag:$0x1] =	stream.strided.gather @!p1 [hbm4b:s14+s16], $0x2000, s17, s16, $0x38;
	[tilespmem:$0x8080] =	vst v63  }
0x27: {  	p1 =	sge.u32 s31, s5  }
.Ltmp2:
0x28: {  	_ = 	snop;
	(pc) =	sbr.rel @p1 .LBB1_5-.Ltmp2, $1  }
0x29: {  	_ =	sdelay $0x3  }
0x2a: {  	s14 =	simm.s32 $0x1  }
0x2b: {  	_ =	swait.ge [sflag:s4], $0x2000;
	s14 =	simm.s32 @!p0 $0x0  }
0x2c: {  	[sflag:s4] =	ssyncset.done $0x0;
	s15 =	sshll.u32 s14, $0xD  }
0x2d: {  	[sflag:s4] =	ssyncadd.s32 $0xFFFFE000;
	s18 =	sor.u32 $0x20, s15  }
0x2e: {  	s14 =	smul.u32 $0x8100, s14;
	v3 =	vld [tilespmem:s18+$0x10]  }
0x2f: {  	s30 =	sand.u32 $0x1, s11;
	v2 =	vld [tilespmem:s18+$0xFFFFFFF0]  }
0x30: {  	s15 =	smul.u32 $0x8100, s30;
	s14 =	sshrl.u32 s14, $0x2;
	v0 =	vld [tilespmem:s18+$0x0]  }
0x31: {  	v1 =	vld [tilespmem:s18+$0xFFFFFFE0];
	s16 =	sor.u32 $0x4000, s14  }
0x32: {  	s31 =	sshrl.u32 s15, $0x2;
	s15 =	sadd.s32 $0x0, s16  }
0x33: {  	s17 =	simm.s32 $0x4;
	s18 =	sadd.s32 $0x40, s18;
	s14 =	sor.u32 $0x4000, s31;
	[tilespmem:s15+$0x1830 ss:$0x81] =	vst.msk $0xffff, v3  }
.LBB1_3:
0x34: {  	v3 =	vld [tilespmem:s18+$0x10];
	p1 =	sne.s32 s17, $0x1FC;
	[tilespmem:s15+$0x810 ss:$0x81] =	vst.msk $0xffff, v2;
	s19 =	smov.u32 s17;
	s17 =	sadd.s32 $0x4, s17  }
.Ltmp3:
0x35: {  	v2 =	vld [tilespmem:s18+$0xFFFFFFF0];
	[tilespmem:s15+$0x1020 ss:$0x81] =	vst.msk $0xffff, v0;
	(pc) =	sbr.rel @p1 .LBB1_3-.Ltmp3, $4  }
0x36: {  	v0 =	vld [tilespmem:s18+$0x0];
	[tilespmem:s15+$0x0 ss:$0x81] =	vst.msk $0xffff, v1  }
0x37: {  	s15 =	sshra.s32 s19, $0x2;
	v1 =	vld [tilespmem:s18+$0xFFFFFFE0]  }
0x38: {  	s15 =	sadd.s32 s15, s16  }
0x39: {  	s18 =	sadd.s32 $0x40, s18;
	[tilespmem:s15+$0x1830 ss:$0x81] =	vst.msk $0xffff, v3  }
.Ltmp4:
0x3a: {  	_ = 	snop;
	(pc) =	sbr.rel .LBB1_4-.Ltmp4, $1  }
0x3b: {  	_ =	sdelay $0x3  }
.LBB1_6:
0x3c: {  	_ =	sfence.sel $0x180000  }
0x3d: {  	s2 =	simm.s32 $0x1;
	[bflag:$0x0] =	sbarrier.arrive $0xFFFF  }
0x3e: {  	s31 =	simm.s32 $0x2;
	[sflag:s2] =	ssyncpa.u1 $0x1  }
0x3f: {  	[sflag:s31] =	ssyncpa.u1 $0x1  }
0x40: {  	p0 =	sne.s32 s0, $0x0;
	_ =	strace $0x9000004A  }
0x41: {  	s0 =	sadd.s32 @!p0 $0x100000, s1;
	[bflag:$0x2] =	sbarrier.arrive $0xFFFF  }
0x42: {  	[sflag:s0] =	ssyncadd.tile.s32 @!p0 $0x1;
	_ =	shalt  }
.Lfunc_end1:
_tile_overlayer_lowered:
.L_overlay_start_2:
0x43: {  	(tag) =	ssettag $0x2  }
0x44: {  	s0 =	rddreg [dreg:$0x0];
	s2 =	stileid.u32  }
0x45: {  	s1 =	rddreg [dreg:$0x1];
	p0 =	sne.s32 s2, $0x0  }
0x46: {  	s3 =	rddreg [dreg:$0x2];
	[bflag:$0x3] =	sbarrier.arrive $0xFFFF;
	s2 =	simm.s32 @!p0 $0x1C01  }
0x47: {  	[timem:s3], [sflag:s2] =	dma.local @!p0 [hbm:s0], s1  }
0x48: {  	s0 =	simm.s32 @!p0 $0x1  }
0x49: {  	_ =	swait.ge @!p0 [sflag:s0], s1  }
0x4a: {  	s1 =	ssub.s32 @!p0 $0x0, s1;
	[sflag:s0] =	ssyncset.done @!p0 $0x0  }
0x4b: {  	[sflag:s0] =	ssyncadd.s32 @!p0 s1  }
0x4c: {  	[bflag:$0x3] =	sbarrier.arrive $0xFFFF  }
0x4d: {  	_ =	shalt  }

</sc_bundles>
